<compile_context>
chip_gen: v7x
topology: tpu7x:2x2x1
jax: 0.10.2.dev20260603
libtpu: 0.0.44.dev20260713+nightly
codegen_flags: <defaults>
</compile_context>

<pallas_src>
import jax
import jax.numpy as jnp
from jax import lax
from jax.experimental import pallas as pl
from jax.experimental.pallas import tpu as pltpu
from jax.experimental.pallas import tpu_sc as plsc

_N = 4096
_E = 167772
_NUM_CORES = 2
_NUM_SUBCORES = 16
_LANES = 16

_SLAB_ROWS = 256
_SLAB = _SLAB_ROWS * _N
_NUM_SLABS = _N // _SLAB_ROWS
_SLABS_PER_CORE = _NUM_SLABS // _NUM_CORES
_CHUNK = _SLAB // _NUM_SUBCORES

_E_TILE = 10496
_E_PAD = _E_TILE * _NUM_SUBCORES
_VREGS = _E_TILE // _LANES


def _sc_body(rows_hbm, cols_hbm, vals_hbm, zeros_hbm, out_hbm,
             hi_v, idx_v, val_v, sval_v, zbuf_v, accum, sem):
    c = lax.axis_index("c")
    s = lax.axis_index("s")

    base_e = s * _E_TILE
    pltpu.sync_copy(rows_hbm.at[pl.ds(base_e, _E_TILE)], hi_v)
    pltpu.sync_copy(cols_hbm.at[pl.ds(base_e, _E_TILE)], idx_v)
    pltpu.sync_copy(vals_hbm.at[pl.ds(base_e, _E_TILE)], val_v)
    pltpu.sync_copy(zeros_hbm.at[pl.ds(base_e, _E_TILE)], zbuf_v)

    pltpu.sync_copy(zeros_hbm.at[pl.ds(s * _CHUNK, _CHUNK)],
                    accum.at[pl.ds(s * _CHUNK, _CHUNK)])

    def _prep(i, carry):
        sl = pl.ds(i * _LANES, _LANES)
        r = hi_v[sl]
        cv = idx_v[sl]
        idx_v[sl] = jnp.bitwise_or(
            jnp.left_shift(jnp.bitwise_and(r, _SLAB_ROWS - 1), 12), cv)
        hi_v[sl] = jnp.right_shift(r, 8)
        return carry

    lax.fori_loop(0, _VREGS, _prep, 0)
    plsc.subcore_barrier()

    def _mask_for(slab):
        def _mask(i, carry):
            sl = pl.ds(i * _LANES, _LANES)
            m = hi_v[sl] == slab
            sval_v[sl] = jnp.where(m, val_v[sl], 0.0)
            return carry

        lax.fori_loop(0, _VREGS, _mask, 0)

    copyout = None
    for p in range(_SLABS_PER_CORE):
        slab = c * _SLABS_PER_CORE + p

        _mask_for(slab)

        if p >= 1:
            copyout.wait()
            plsc.subcore_barrier()
            pltpu.sync_copy(zbuf_v, accum.at[idx_v])
            plsc.subcore_barrier()

        pltpu.sync_copy(sval_v, accum.at[idx_v], add=True)
        plsc.subcore_barrier()

        out_off = slab * _SLAB + s * _CHUNK
        copyout = pltpu.async_copy(accum.at[pl.ds(s * _CHUNK, _CHUNK)],
                                   out_hbm.at[pl.ds(out_off, _CHUNK)], sem)

    copyout.wait()


@jax.jit
def kernel(indices, values):
    idx = jnp.squeeze(indices, axis=0).astype(jnp.int32)
    vals = jnp.squeeze(values, axis=0).astype(jnp.float32)
    pad = _E_PAD - _E
    rows = jnp.concatenate([idx[:, 0], jnp.zeros((pad,), jnp.int32)])
    cols = jnp.concatenate([idx[:, 1], jnp.zeros((pad,), jnp.int32)])
    v = jnp.concatenate([vals, jnp.zeros((pad,), jnp.float32)])
    zeros = jnp.zeros((_SLAB, ), jnp.float32)

    mesh = plsc.VectorSubcoreMesh(
        core_axis_name="c", subcore_axis_name="s",
        num_cores=_NUM_CORES, num_subcores=_NUM_SUBCORES)
    out = pl.kernel(
        _sc_body,
        out_type=jax.ShapeDtypeStruct((_N * _N,), jnp.float32),
        mesh=mesh,
        scratch_types=[
            pltpu.VMEM((_E_TILE,), jnp.int32),
            pltpu.VMEM((_E_TILE,), jnp.int32),
            pltpu.VMEM((_E_TILE,), jnp.float32),
            pltpu.VMEM((_E_TILE,), jnp.float32),
            pltpu.VMEM((_E_TILE,), jnp.float32),
            pltpu.VMEM_SHARED((_SLAB,), jnp.float32),
            pltpu.SemaphoreType.DMA,
        ],
    )(rows, cols, v, zeros)
    return out.reshape(_N, _N)

# --- scband reference (transcript-rebuilt; emitter-appended) ---
"""Pipeline reference for scband-squeezed-sparse-conversion-12687333393047 (READ-ONLY COPY).

The authoritative reference and input builder live on the scoring server;
editing this copy changes nothing except your own understanding.
"""

import jax, jax.numpy as jnp
import numpy as np

N = 4096
E = 167772


def setup_inputs(seed: int = 0) -> dict:
    key = jax.random.key(seed)
    k1, k2 = jax.random.split(key)
    indices = jax.random.randint(k1, (1, E, 2), 0, N)
    values = jax.random.normal(k2, (1, E), dtype=jnp.float32)
    return {"indices": indices, "values": values}


def reference(indices, values):
    # SqueezedSparseConversion: squeeze the leading batch axis (axis=0) off both
    # indices [1, E, 2] -> [E, 2] and values [1, E] -> [E], cast values to the
    # layer dtype, and build a sparse matrix of dense_shape (N, N).
    # In JAX we materialize the sparse tensor via a scatter into the dense
    # matrix (duplicate indices accumulate, matching COO summation semantics).
    idx = jnp.squeeze(indices, axis=0)
    vals = jnp.squeeze(values, axis=0).astype(jnp.float32)
    rows = idx[:, 0]
    cols = idx[:, 1]
    dense = jnp.zeros((N, N), dtype=jnp.float32).at[rows, cols].add(vals)
    return dense

if __name__ == "__main__":
    import jax
    _d = setup_inputs()
    print(jax.jit(kernel)(*tuple(_d.values())))

</pallas_src>

<mosaic_0001>
#map = affine_map<(d0, d1) -> (0)>
module attributes {stable_mosaic.version = 14 : i64} {
  func.func @_sc_body(%arg0: i32, %arg1: i32, %arg2: memref<167936xi32, #tpu.memory_space<hbm>>, %arg3: memref<167936xi32, #tpu.memory_space<hbm>>, %arg4: memref<167936xf32, #tpu.memory_space<hbm>>, %arg5: memref<1048576xf32, #tpu.memory_space<hbm>>, %arg6: memref<16777216xf32, #tpu.memory_space<hbm>>, %arg7: memref<10496xi32, #tpu.memory_space<vmem>>, %arg8: memref<10496xi32, #tpu.memory_space<vmem>>, %arg9: memref<10496xf32, #tpu.memory_space<vmem>>, %arg10: memref<10496xf32, #tpu.memory_space<vmem>>, %arg11: memref<10496xf32, #tpu.memory_space<vmem>>, %arg12: memref<1048576xf32, #tpu.memory_space<vmem_shared>>, %arg13: memref<!tpu.dma_semaphore, #tpu.memory_space<semaphore_mem>>) attributes {dimension_semantics = [#tpu.dimension_semantics<core_parallel>, #tpu.dimension_semantics<subcore_parallel>], iteration_bounds = array<i64: 2, 16>, scalar_prefetch = 0 : i64, scratch_operands = 7 : i64, tpu.core_type = #tpu.core_type<sc_vector_subcore>, window_params = [{transform_indices = #map}, {transform_indices = #map}, {transform_indices = #map}, {transform_indices = #map}, {transform_indices = #map}]} {
    %mul3A = arith.constant 10496 : i32
    %mul3A_0 = arith.muli %arg1, %mul3A : i32
    "tpu.region"() ({
      %run_scoped3A = tpu.sem_alloc : memref<!tpu.dma_semaphore, #tpu.memory_space<semaphore_mem>>
      %dma_start3A_197 = tpu.memref_slice %arg2[%mul3A_0] : memref<167936xi32, #tpu.memory_space<hbm>> -> memref<10496xi32, #tpu.memory_space<hbm>>
      %dma_start3A_198 = tpu.memref_slice %arg2[%mul3A_0] : memref<167936xi32, #tpu.memory_space<hbm>> -> memref<10496xi32, #tpu.memory_space<hbm>>
      tpu.enqueue_dma source(%dma_start3A_198 : memref<10496xi32, #tpu.memory_space<hbm>>) target(%arg7 : memref<10496xi32, #tpu.memory_space<vmem>>) target_semaphore(%run_scoped3A : memref<!tpu.dma_semaphore, #tpu.memory_space<semaphore_mem>>)
      %dma_wait3A_199 = tpu.memref_slice %arg2[%mul3A_0] : memref<167936xi32, #tpu.memory_space<hbm>> -> memref<10496xi32, #tpu.memory_space<hbm>>
      %dma_wait3A_200 = tpu.memref_slice %arg2[%mul3A_0] : memref<167936xi32, #tpu.memory_space<hbm>> -> memref<10496xi32, #tpu.memory_space<hbm>>
      tpu.wait_dma2 semaphore(%run_scoped3A : memref<!tpu.dma_semaphore, #tpu.memory_space<semaphore_mem>>) src(%dma_wait3A_200 : memref<10496xi32, #tpu.memory_space<hbm>>) dst(%arg7 : memref<10496xi32, #tpu.memory_space<vmem>>)
      tpu.yield
    }) : () -> ()
    "tpu.region"() ({
      %run_scoped3A = tpu.sem_alloc : memref<!tpu.dma_semaphore, #tpu.memory_space<semaphore_mem>>
      %dma_start3A_197 = tpu.memref_slice %arg3[%mul3A_0] : memref<167936xi32, #tpu.memory_space<hbm>> -> memref<10496xi32, #tpu.memory_space<hbm>>
      %dma_start3A_198 = tpu.memref_slice %arg3[%mul3A_0] : memref<167936xi32, #tpu.memory_space<hbm>> -> memref<10496xi32, #tpu.memory_space<hbm>>
      tpu.enqueue_dma source(%dma_start3A_198 : memref<10496xi32, #tpu.memory_space<hbm>>) target(%arg8 : memref<10496xi32, #tpu.memory_space<vmem>>) target_semaphore(%run_scoped3A : memref<!tpu.dma_semaphore, #tpu.memory_space<semaphore_mem>>)
      %dma_wait3A_199 = tpu.memref_slice %arg3[%mul3A_0] : memref<167936xi32, #tpu.memory_space<hbm>> -> memref<10496xi32, #tpu.memory_space<hbm>>
      %dma_wait3A_200 = tpu.memref_slice %arg3[%mul3A_0] : memref<167936xi32, #tpu.memory_space<hbm>> -> memref<10496xi32, #tpu.memory_space<hbm>>
      tpu.wait_dma2 semaphore(%run_scoped3A : memref<!tpu.dma_semaphore, #tpu.memory_space<semaphore_mem>>) src(%dma_wait3A_200 : memref<10496xi32, #tpu.memory_space<hbm>>) dst(%arg8 : memref<10496xi32, #tpu.memory_space<vmem>>)
      tpu.yield
    }) : () -> ()
    "tpu.region"() ({
      %run_scoped3A = tpu.sem_alloc : memref<!tpu.dma_semaphore, #tpu.memory_space<semaphore_mem>>
      %dma_start3A_197 = tpu.memref_slice %arg4[%mul3A_0] : memref<167936xf32, #tpu.memory_space<hbm>> -> memref<10496xf32, #tpu.memory_space<hbm>>
      %dma_start3A_198 = tpu.memref_slice %arg4[%mul3A_0] : memref<167936xf32, #tpu.memory_space<hbm>> -> memref<10496xf32, #tpu.memory_space<hbm>>
      tpu.enqueue_dma source(%dma_start3A_198 : memref<10496xf32, #tpu.memory_space<hbm>>) target(%arg9 : memref<10496xf32, #tpu.memory_space<vmem>>) target_semaphore(%run_scoped3A : memref<!tpu.dma_semaphore, #tpu.memory_space<semaphore_mem>>)
      %dma_wait3A_199 = tpu.memref_slice %arg4[%mul3A_0] : memref<167936xf32, #tpu.memory_space<hbm>> -> memref<10496xf32, #tpu.memory_space<hbm>>
      %dma_wait3A_200 = tpu.memref_slice %arg4[%mul3A_0] : memref<167936xf32, #tpu.memory_space<hbm>> -> memref<10496xf32, #tpu.memory_space<hbm>>
      tpu.wait_dma2 semaphore(%run_scoped3A : memref<!tpu.dma_semaphore, #tpu.memory_space<semaphore_mem>>) src(%dma_wait3A_200 : memref<10496xf32, #tpu.memory_space<hbm>>) dst(%arg9 : memref<10496xf32, #tpu.memory_space<vmem>>)
      tpu.yield
    }) : () -> ()
    "tpu.region"() ({
      %run_scoped3A = tpu.sem_alloc : memref<!tpu.dma_semaphore, #tpu.memory_space<semaphore_mem>>
      %dma_start3A_197 = tpu.memref_slice %arg5[%mul3A_0] : memref<1048576xf32, #tpu.memory_space<hbm>> -> memref<10496xf32, #tpu.memory_space<hbm>>
      %dma_start3A_198 = tpu.memref_slice %arg5[%mul3A_0] : memref<1048576xf32, #tpu.memory_space<hbm>> -> memref<10496xf32, #tpu.memory_space<hbm>>
      tpu.enqueue_dma source(%dma_start3A_198 : memref<10496xf32, #tpu.memory_space<hbm>>) target(%arg11 : memref<10496xf32, #tpu.memory_space<vmem>>) target_semaphore(%run_scoped3A : memref<!tpu.dma_semaphore, #tpu.memory_space<semaphore_mem>>)
      %dma_wait3A_199 = tpu.memref_slice %arg5[%mul3A_0] : memref<1048576xf32, #tpu.memory_space<hbm>> -> memref<10496xf32, #tpu.memory_space<hbm>>
      %dma_wait3A_200 = tpu.memref_slice %arg5[%mul3A_0] : memref<1048576xf32, #tpu.memory_space<hbm>> -> memref<10496xf32, #tpu.memory_space<hbm>>
      tpu.wait_dma2 semaphore(%run_scoped3A : memref<!tpu.dma_semaphore, #tpu.memory_space<semaphore_mem>>) src(%dma_wait3A_200 : memref<10496xf32, #tpu.memory_space<hbm>>) dst(%arg11 : memref<10496xf32, #tpu.memory_space<vmem>>)
      tpu.yield
    }) : () -> ()
    %mul3A_1 = arith.constant 65536 : i32
    %mul3A_2 = arith.muli %arg1, %mul3A_1 : i32
    %mul3A_3 = arith.constant 65536 : i32
    %mul3A_4 = arith.muli %arg1, %mul3A_3 : i32
    "tpu.region"() ({
      %run_scoped3A = tpu.sem_alloc : memref<!tpu.dma_semaphore, #tpu.memory_space<semaphore_mem>>
      %dma_start3A_197 = tpu.memref_slice %arg12[%mul3A_4] : memref<1048576xf32, #tpu.memory_space<vmem_shared>> -> memref<65536xf32, #tpu.memory_space<vmem_shared>>
      %dma_start3A_198 = tpu.memref_slice %arg5[%mul3A_2] : memref<1048576xf32, #tpu.memory_space<hbm>> -> memref<65536xf32, #tpu.memory_space<hbm>>
      tpu.enqueue_dma source(%dma_start3A_198 : memref<65536xf32, #tpu.memory_space<hbm>>) target(%dma_start3A_197 : memref<65536xf32, #tpu.memory_space<vmem_shared>>) target_semaphore(%run_scoped3A : memref<!tpu.dma_semaphore, #tpu.memory_space<semaphore_mem>>)
      %dma_wait3A_199 = tpu.memref_slice %arg12[%mul3A_4] : memref<1048576xf32, #tpu.memory_space<vmem_shared>> -> memref<65536xf32, #tpu.memory_space<vmem_shared>>
      %dma_wait3A_200 = tpu.memref_slice %arg5[%mul3A_2] : memref<1048576xf32, #tpu.memory_space<hbm>> -> memref<65536xf32, #tpu.memory_space<hbm>>
      tpu.wait_dma2 semaphore(%run_scoped3A : memref<!tpu.dma_semaphore, #tpu.memory_space<semaphore_mem>>) src(%dma_wait3A_200 : memref<65536xf32, #tpu.memory_space<hbm>>) dst(%dma_wait3A_199 : memref<65536xf32, #tpu.memory_space<vmem_shared>>)
      tpu.yield
    }) : () -> ()
    %scan3A = arith.constant 0 : i32
    %scan3A_5 = arith.constant 0 : i32
    %scan3A_6 = arith.constant 656 : i32
    %scan3A_7 = arith.addi %scan3A_5, %scan3A_6 : i32
    %scan3A_8 = arith.constant 1 : i32
    scf.for %scan3A_197 = %scan3A_5 to %scan3A_7 step %scan3A_8  : i32 {
      %mul3A_198 = arith.constant 16 : i32
      %mul3A_199 = arith.muli %scan3A_197, %mul3A_198 : i32
      %get3A = arith.index_cast %mul3A_199 : i32 to index
      %get3A_200 = tpu.vector_load %arg7[%get3A] {strides = array<i32>} : memref<10496xi32, #tpu.memory_space<vmem>>, vector<16xi32>,
      %get3A_201 = vector.shape_cast %get3A_200 : vector<16xi32> to vector<16xi32>
      %get3A_202 = arith.index_cast %mul3A_199 : i32 to index
      %get3A_203 = tpu.vector_load %arg8[%get3A_202] {strides = array<i32>} : memref<10496xi32, #tpu.memory_space<vmem>>, vector<16xi32>,
      %get3A_204 = vector.shape_cast %get3A_203 : vector<16xi32> to vector<16xi32>
      %and3A = arith.constant 255 : i32
      %and3A_205 = vector.broadcast %and3A : i32 to vector<16xi32>
      %and3A_206 = arith.andi %get3A_201, %and3A_205 : vector<16xi32>
      %shift_left3A = arith.constant 12 : i32
      %shift_left3A_207 = vector.broadcast %shift_left3A : i32 to vector<16xi32>
      %shift_left3A_208 = arith.shli %and3A_206, %shift_left3A_207 : vector<16xi32>
      %or3A = arith.ori %shift_left3A_208, %get3A_204 : vector<16xi32>
      %swap3A = arith.index_cast %mul3A_199 : i32 to index
      %swap3A_209 = tpu.vector_load %arg8[%swap3A] {strides = array<i32>} : memref<10496xi32, #tpu.memory_space<vmem>>, vector<16xi32>,
      %swap3A_210 = vector.shape_cast %swap3A_209 : vector<16xi32> to vector<16xi32>
      %swap3A_211 = vector.shape_cast %or3A : vector<16xi32> to vector<16xi32>
      tpu.vector_store %arg8[%swap3A], %swap3A_211 {strides = array<i32>} : memref<10496xi32, #tpu.memory_space<vmem>>, vector<16xi32>,
      %shift_right_arithmetic3A = arith.constant 8 : i32
      %shift_right_arithmetic3A_212 = vector.broadcast %shift_right_arithmetic3A : i32 to vector<16xi32>
      %shift_right_arithmetic3A_213 = arith.shrsi %get3A_201, %shift_right_arithmetic3A_212 : vector<16xi32>
      %swap3A_214 = arith.index_cast %mul3A_199 : i32 to index
      %swap3A_215 = tpu.vector_load %arg7[%swap3A_214] {strides = array<i32>} : memref<10496xi32, #tpu.memory_space<vmem>>, vector<16xi32>,
      %swap3A_216 = vector.shape_cast %swap3A_215 : vector<16xi32> to vector<16xi32>
      %swap3A_217 = vector.shape_cast %shift_right_arithmetic3A_213 : vector<16xi32> to vector<16xi32>
      tpu.vector_store %arg7[%swap3A_214], %swap3A_217 {strides = array<i32>} : memref<10496xi32, #tpu.memory_space<vmem>>, vector<16xi32>,
    }
    %scan3A_9 = arith.constant 656 : i32
    %barrier3A = arith.constant 0 : index
    tpu.barrier barrier_id(%barrier3A)
    %mul3A_10 = arith.constant 8 : i32
    %mul3A_11 = arith.muli %arg0, %mul3A_10 : i32
    %add3A = arith.constant 0 : i32
    %add3A_12 = arith.addi %mul3A_11, %add3A : i32
    %scan3A_13 = arith.constant 0 : i32
    %scan3A_14 = arith.constant 0 : i32
    %scan3A_15 = arith.constant 656 : i32
    %scan3A_16 = arith.addi %scan3A_14, %scan3A_15 : i32
    %scan3A_17 = arith.constant 1 : i32
    scf.for %scan3A_197 = %scan3A_14 to %scan3A_16 step %scan3A_17  : i32 {
      %mul3A_198 = arith.constant 16 : i32
      %mul3A_199 = arith.muli %scan3A_197, %mul3A_198 : i32
      %get3A = arith.index_cast %mul3A_199 : i32 to index
      %get3A_200 = tpu.vector_load %arg7[%get3A] {strides = array<i32>} : memref<10496xi32, #tpu.memory_space<vmem>>, vector<16xi32>,
      %get3A_201 = vector.shape_cast %get3A_200 : vector<16xi32> to vector<16xi32>
      %eq3A = vector.broadcast %add3A_12 : i32 to vector<16xi32>
      %eq3A_202 = arith.cmpi eq, %get3A_201, %eq3A : vector<16xi32>
      %get3A_203 = arith.index_cast %mul3A_199 : i32 to index
      %get3A_204 = tpu.vector_load %arg9[%get3A_203] {strides = array<i32>} : memref<10496xf32, #tpu.memory_space<vmem>>, vector<16xf32>,
      %get3A_205 = vector.shape_cast %get3A_204 : vector<16xf32> to vector<16xf32>
      %jit3A = arith.constant 0.000000e+00 : f32
      %broadcast_in_dim3A = vector.broadcast %jit3A : f32 to vector<16xf32>
      %select_n3A = arith.select %eq3A_202, %get3A_205, %broadcast_in_dim3A : vector<16xi1>, vector<16xf32>
      %swap3A = arith.index_cast %mul3A_199 : i32 to index
      %swap3A_206 = tpu.vector_load %arg10[%swap3A] {strides = array<i32>} : memref<10496xf32, #tpu.memory_space<vmem>>, vector<16xf32>,
      %swap3A_207 = vector.shape_cast %swap3A_206 : vector<16xf32> to vector<16xf32>
      %swap3A_208 = vector.shape_cast %select_n3A : vector<16xf32> to vector<16xf32>
      tpu.vector_store %arg10[%swap3A], %swap3A_208 {strides = array<i32>} : memref<10496xf32, #tpu.memory_space<vmem>>, vector<16xf32>,
    }
    %scan3A_18 = arith.constant 656 : i32
    "tpu.region"() ({
      %run_scoped3A = tpu.sem_alloc : memref<!tpu.dma_semaphore, #tpu.memory_space<semaphore_mem>>
      %dma_start3A_197 = arith.constant 0 : i32
      %dma_start3A_198 = tpu.memref_slice %arg12[%dma_start3A_197] : memref<1048576xf32, #tpu.memory_space<vmem_shared>> -> memref<1048576xf32, #tpu.memory_space<vmem_shared>>
      tpu.enqueue_indirect_dma source(%arg10 : memref<10496xf32, #tpu.memory_space<vmem>>) target(%dma_start3A_198 : memref<1048576xf32, #tpu.memory_space<vmem_shared>>) offsets(%arg8 : memref<10496xi32, #tpu.memory_space<vmem>>) semaphore(%run_scoped3A : memref<!tpu.dma_semaphore, #tpu.memory_space<semaphore_mem>>) {add = true}
      %dma_wait3A_199 = arith.constant 0 : i32
      %dma_wait3A_200 = tpu.memref_slice %arg12[%dma_wait3A_199] : memref<1048576xf32, #tpu.memory_space<vmem_shared>> -> memref<1048576xf32, #tpu.memory_space<vmem_shared>>
      tpu.wait_indirect_dma semaphore(%run_scoped3A : memref<!tpu.dma_semaphore, #tpu.memory_space<semaphore_mem>>) src(%arg10 : memref<10496xf32, #tpu.memory_space<vmem>>) dst(%dma_wait3A_200 : memref<1048576xf32, #tpu.memory_space<vmem_shared>>)
      tpu.yield
    }) : () -> ()
    %barrier3A_19 = arith.constant 0 : index
    tpu.barrier barrier_id(%barrier3A_19)
    %mul3A_20 = arith.constant 1048576 : i32
    %mul3A_21 = arith.muli %add3A_12, %mul3A_20 : i32
    %mul3A_22 = arith.constant 65536 : i32
    %mul3A_23 = arith.muli %arg1, %mul3A_22 : i32
    %add3A_24 = arith.addi %mul3A_21, %mul3A_23 : i32
    %mul3A_25 = arith.constant 65536 : i32
    %mul3A_26 = arith.muli %arg1, %mul3A_25 : i32
    %dma_start3A = tpu.memref_slice %arg6[%add3A_24] : memref<16777216xf32, #tpu.memory_space<hbm>> -> memref<65536xf32, #tpu.memory_space<hbm>>
    %dma_start3A_27 = tpu.memref_slice %arg12[%mul3A_26] : memref<1048576xf32, #tpu.memory_space<vmem_shared>> -> memref<65536xf32, #tpu.memory_space<vmem_shared>>
    tpu.enqueue_dma source(%dma_start3A_27 : memref<65536xf32, #tpu.memory_space<vmem_shared>>) target(%dma_start3A : memref<65536xf32, #tpu.memory_space<hbm>>) target_semaphore(%arg13 : memref<!tpu.dma_semaphore, #tpu.memory_space<semaphore_mem>>)
    %mul3A_28 = arith.constant 8 : i32
    %mul3A_29 = arith.muli %arg0, %mul3A_28 : i32
    %add3A_30 = arith.constant 1 : i32
    %add3A_31 = arith.addi %mul3A_29, %add3A_30 : i32
    %scan3A_32 = arith.constant 0 : i32
    %scan3A_33 = arith.constant 0 : i32
    %scan3A_34 = arith.constant 656 : i32
    %scan3A_35 = arith.addi %scan3A_33, %scan3A_34 : i32
    %scan3A_36 = arith.constant 1 : i32
    scf.for %scan3A_197 = %scan3A_33 to %scan3A_35 step %scan3A_36  : i32 {
      %mul3A_198 = arith.constant 16 : i32
      %mul3A_199 = arith.muli %scan3A_197, %mul3A_198 : i32
      %get3A = arith.index_cast %mul3A_199 : i32 to index
      %get3A_200 = tpu.vector_load %arg7[%get3A] {strides = array<i32>} : memref<10496xi32, #tpu.memory_space<vmem>>, vector<16xi32>,
      %get3A_201 = vector.shape_cast %get3A_200 : vector<16xi32> to vector<16xi32>
      %eq3A = vector.broadcast %add3A_31 : i32 to vector<16xi32>
      %eq3A_202 = arith.cmpi eq, %get3A_201, %eq3A : vector<16xi32>
      %get3A_203 = arith.index_cast %mul3A_199 : i32 to index
      %get3A_204 = tpu.vector_load %arg9[%get3A_203] {strides = array<i32>} : memref<10496xf32, #tpu.memory_space<vmem>>, vector<16xf32>,
      %get3A_205 = vector.shape_cast %get3A_204 : vector<16xf32> to vector<16xf32>
      %jit3A = arith.constant 0.000000e+00 : f32
      %broadcast_in_dim3A = vector.broadcast %jit3A : f32 to vector<16xf32>
      %select_n3A = arith.select %eq3A_202, %get3A_205, %broadcast_in_dim3A : vector<16xi1>, vector<16xf32>
      %swap3A = arith.index_cast %mul3A_199 : i32 to index
      %swap3A_206 = tpu.vector_load %arg10[%swap3A] {strides = array<i32>} : memref<10496xf32, #tpu.memory_space<vmem>>, vector<16xf32>,
      %swap3A_207 = vector.shape_cast %swap3A_206 : vector<16xf32> to vector<16xf32>
      %swap3A_208 = vector.shape_cast %select_n3A : vector<16xf32> to vector<16xf32>
      tpu.vector_store %arg10[%swap3A], %swap3A_208 {strides = array<i32>} : memref<10496xf32, #tpu.memory_space<vmem>>, vector<16xf32>,
    }
    %scan3A_37 = arith.constant 656 : i32
    %dma_wait3A = tpu.memref_slice %arg6[%add3A_24] : memref<16777216xf32, #tpu.memory_space<hbm>> -> memref<65536xf32, #tpu.memory_space<hbm>>
    %dma_wait3A_38 = tpu.memref_slice %arg12[%mul3A_26] : memref<1048576xf32, #tpu.memory_space<vmem_shared>> -> memref<65536xf32, #tpu.memory_space<vmem_shared>>
    tpu.wait_dma2 semaphore(%arg13 : memref<!tpu.dma_semaphore, #tpu.memory_space<semaphore_mem>>) src(%dma_wait3A_38 : memref<65536xf32, #tpu.memory_space<vmem_shared>>) dst(%dma_wait3A : memref<65536xf32, #tpu.memory_space<hbm>>)
    %barrier3A_39 = arith.constant 0 : index
    tpu.barrier barrier_id(%barrier3A_39)
    "tpu.region"() ({
      %run_scoped3A = tpu.sem_alloc : memref<!tpu.dma_semaphore, #tpu.memory_space<semaphore_mem>>
      %dma_start3A_197 = arith.constant 0 : i32
      %dma_start3A_198 = tpu.memref_slice %arg12[%dma_start3A_197] : memref<1048576xf32, #tpu.memory_space<vmem_shared>> -> memref<1048576xf32, #tpu.memory_space<vmem_shared>>
      tpu.enqueue_indirect_dma source(%arg11 : memref<10496xf32, #tpu.memory_space<vmem>>) target(%dma_start3A_198 : memref<1048576xf32, #tpu.memory_space<vmem_shared>>) offsets(%arg8 : memref<10496xi32, #tpu.memory_space<vmem>>) semaphore(%run_scoped3A : memref<!tpu.dma_semaphore, #tpu.memory_space<semaphore_mem>>)
      %dma_wait3A_199 = arith.constant 0 : i32
      %dma_wait3A_200 = tpu.memref_slice %arg12[%dma_wait3A_199] : memref<1048576xf32, #tpu.memory_space<vmem_shared>> -> memref<1048576xf32, #tpu.memory_space<vmem_shared>>
      tpu.wait_indirect_dma semaphore(%run_scoped3A : memref<!tpu.dma_semaphore, #tpu.memory_space<semaphore_mem>>) src(%arg11 : memref<10496xf32, #tpu.memory_space<vmem>>) dst(%dma_wait3A_200 : memref<1048576xf32, #tpu.memory_space<vmem_shared>>)
      tpu.yield
    }) : () -> ()
    %barrier3A_40 = arith.constant 0 : index
    tpu.barrier barrier_id(%barrier3A_40)
    "tpu.region"() ({
      %run_scoped3A = tpu.sem_alloc : memref<!tpu.dma_semaphore, #tpu.memory_space<semaphore_mem>>
      %dma_start3A_197 = arith.constant 0 : i32
      %dma_start3A_198 = tpu.memref_slice %arg12[%dma_start3A_197] : memref<1048576xf32, #tpu.memory_space<vmem_shared>> -> memref<1048576xf32, #tpu.memory_space<vmem_shared>>
      tpu.enqueue_indirect_dma source(%arg10 : memref<10496xf32, #tpu.memory_space<vmem>>) target(%dma_start3A_198 : memref<1048576xf32, #tpu.memory_space<vmem_shared>>) offsets(%arg8 : memref<10496xi32, #tpu.memory_space<vmem>>) semaphore(%run_scoped3A : memref<!tpu.dma_semaphore, #tpu.memory_space<semaphore_mem>>) {add = true}
      %dma_wait3A_199 = arith.constant 0 : i32
      %dma_wait3A_200 = tpu.memref_slice %arg12[%dma_wait3A_199] : memref<1048576xf32, #tpu.memory_space<vmem_shared>> -> memref<1048576xf32, #tpu.memory_space<vmem_shared>>
      tpu.wait_indirect_dma semaphore(%run_scoped3A : memref<!tpu.dma_semaphore, #tpu.memory_space<semaphore_mem>>) src(%arg10 : memref<10496xf32, #tpu.memory_space<vmem>>) dst(%dma_wait3A_200 : memref<1048576xf32, #tpu.memory_space<vmem_shared>>)
      tpu.yield
    }) : () -> ()
    %barrier3A_41 = arith.constant 0 : index
    tpu.barrier barrier_id(%barrier3A_41)
    %mul3A_42 = arith.constant 1048576 : i32
    %mul3A_43 = arith.muli %add3A_31, %mul3A_42 : i32
    %mul3A_44 = arith.constant 65536 : i32
    %mul3A_45 = arith.muli %arg1, %mul3A_44 : i32
    %add3A_46 = arith.addi %mul3A_43, %mul3A_45 : i32
    %mul3A_47 = arith.constant 65536 : i32
    %mul3A_48 = arith.muli %arg1, %mul3A_47 : i32
    %dma_start3A_49 = tpu.memref_slice %arg6[%add3A_46] : memref<16777216xf32, #tpu.memory_space<hbm>> -> memref<65536xf32, #tpu.memory_space<hbm>>
    %dma_start3A_50 = tpu.memref_slice %arg12[%mul3A_48] : memref<1048576xf32, #tpu.memory_space<vmem_shared>> -> memref<65536xf32, #tpu.memory_space<vmem_shared>>
    tpu.enqueue_dma source(%dma_start3A_50 : memref<65536xf32, #tpu.memory_space<vmem_shared>>) target(%dma_start3A_49 : memref<65536xf32, #tpu.memory_space<hbm>>) target_semaphore(%arg13 : memref<!tpu.dma_semaphore, #tpu.memory_space<semaphore_mem>>)
    %mul3A_51 = arith.constant 8 : i32
    %mul3A_52 = arith.muli %arg0, %mul3A_51 : i32
    %add3A_53 = arith.constant 2 : i32
    %add3A_54 = arith.addi %mul3A_52, %add3A_53 : i32
    %scan3A_55 = arith.constant 0 : i32
    %scan3A_56 = arith.constant 0 : i32
    %scan3A_57 = arith.constant 656 : i32
    %scan3A_58 = arith.addi %scan3A_56, %scan3A_57 : i32
    %scan3A_59 = arith.constant 1 : i32
    scf.for %scan3A_197 = %scan3A_56 to %scan3A_58 step %scan3A_59  : i32 {
      %mul3A_198 = arith.constant 16 : i32
      %mul3A_199 = arith.muli %scan3A_197, %mul3A_198 : i32
      %get3A = arith.index_cast %mul3A_199 : i32 to index
      %get3A_200 = tpu.vector_load %arg7[%get3A] {strides = array<i32>} : memref<10496xi32, #tpu.memory_space<vmem>>, vector<16xi32>,
      %get3A_201 = vector.shape_cast %get3A_200 : vector<16xi32> to vector<16xi32>
      %eq3A = vector.broadcast %add3A_54 : i32 to vector<16xi32>
      %eq3A_202 = arith.cmpi eq, %get3A_201, %eq3A : vector<16xi32>
      %get3A_203 = arith.index_cast %mul3A_199 : i32 to index
      %get3A_204 = tpu.vector_load %arg9[%get3A_203] {strides = array<i32>} : memref<10496xf32, #tpu.memory_space<vmem>>, vector<16xf32>,
      %get3A_205 = vector.shape_cast %get3A_204 : vector<16xf32> to vector<16xf32>
      %jit3A = arith.constant 0.000000e+00 : f32
      %broadcast_in_dim3A = vector.broadcast %jit3A : f32 to vector<16xf32>
      %select_n3A = arith.select %eq3A_202, %get3A_205, %broadcast_in_dim3A : vector<16xi1>, vector<16xf32>
      %swap3A = arith.index_cast %mul3A_199 : i32 to index
      %swap3A_206 = tpu.vector_load %arg10[%swap3A] {strides = array<i32>} : memref<10496xf32, #tpu.memory_space<vmem>>, vector<16xf32>,
      %swap3A_207 = vector.shape_cast %swap3A_206 : vector<16xf32> to vector<16xf32>
      %swap3A_208 = vector.shape_cast %select_n3A : vector<16xf32> to vector<16xf32>
      tpu.vector_store %arg10[%swap3A], %swap3A_208 {strides = array<i32>} : memref<10496xf32, #tpu.memory_space<vmem>>, vector<16xf32>,
    }
    %scan3A_60 = arith.constant 656 : i32
    %dma_wait3A_61 = tpu.memref_slice %arg6[%add3A_46] : memref<16777216xf32, #tpu.memory_space<hbm>> -> memref<65536xf32, #tpu.memory_space<hbm>>
    %dma_wait3A_62 = tpu.memref_slice %arg12[%mul3A_48] : memref<1048576xf32, #tpu.memory_space<vmem_shared>> -> memref<65536xf32, #tpu.memory_space<vmem_shared>>
    tpu.wait_dma2 semaphore(%arg13 : memref<!tpu.dma_semaphore, #tpu.memory_space<semaphore_mem>>) src(%dma_wait3A_62 : memref<65536xf32, #tpu.memory_space<vmem_shared>>) dst(%dma_wait3A_61 : memref<65536xf32, #tpu.memory_space<hbm>>)
    %barrier3A_63 = arith.constant 0 : index
    tpu.barrier barrier_id(%barrier3A_63)
    "tpu.region"() ({
      %run_scoped3A = tpu.sem_alloc : memref<!tpu.dma_semaphore, #tpu.memory_space<semaphore_mem>>
      %dma_start3A_197 = arith.constant 0 : i32
      %dma_start3A_198 = tpu.memref_slice %arg12[%dma_start3A_197] : memref<1048576xf32, #tpu.memory_space<vmem_shared>> -> memref<1048576xf32, #tpu.memory_space<vmem_shared>>
      tpu.enqueue_indirect_dma source(%arg11 : memref<10496xf32, #tpu.memory_space<vmem>>) target(%dma_start3A_198 : memref<1048576xf32, #tpu.memory_space<vmem_shared>>) offsets(%arg8 : memref<10496xi32, #tpu.memory_space<vmem>>) semaphore(%run_scoped3A : memref<!tpu.dma_semaphore, #tpu.memory_space<semaphore_mem>>)
      %dma_wait3A_199 = arith.constant 0 : i32
      %dma_wait3A_200 = tpu.memref_slice %arg12[%dma_wait3A_199] : memref<1048576xf32, #tpu.memory_space<vmem_shared>> -> memref<1048576xf32, #tpu.memory_space<vmem_shared>>
      tpu.wait_indirect_dma semaphore(%run_scoped3A : memref<!tpu.dma_semaphore, #tpu.memory_space<semaphore_mem>>) src(%arg11 : memref<10496xf32, #tpu.memory_space<vmem>>) dst(%dma_wait3A_200 : memref<1048576xf32, #tpu.memory_space<vmem_shared>>)
      tpu.yield
    }) : () -> ()
    %barrier3A_64 = arith.constant 0 : index
    tpu.barrier barrier_id(%barrier3A_64)
    "tpu.region"() ({
      %run_scoped3A = tpu.sem_alloc : memref<!tpu.dma_semaphore, #tpu.memory_space<semaphore_mem>>
      %dma_start3A_197 = arith.constant 0 : i32
      %dma_start3A_198 = tpu.memref_slice %arg12[%dma_start3A_197] : memref<1048576xf32, #tpu.memory_space<vmem_shared>> -> memref<1048576xf32, #tpu.memory_space<vmem_shared>>
      tpu.enqueue_indirect_dma source(%arg10 : memref<10496xf32, #tpu.memory_space<vmem>>) target(%dma_start3A_198 : memref<1048576xf32, #tpu.memory_space<vmem_shared>>) offsets(%arg8 : memref<10496xi32, #tpu.memory_space<vmem>>) semaphore(%run_scoped3A : memref<!tpu.dma_semaphore, #tpu.memory_space<semaphore_mem>>) {add = true}
      %dma_wait3A_199 = arith.constant 0 : i32
      %dma_wait3A_200 = tpu.memref_slice %arg12[%dma_wait3A_199] : memref<1048576xf32, #tpu.memory_space<vmem_shared>> -> memref<1048576xf32, #tpu.memory_space<vmem_shared>>
      tpu.wait_indirect_dma semaphore(%run_scoped3A : memref<!tpu.dma_semaphore, #tpu.memory_space<semaphore_mem>>) src(%arg10 : memref<10496xf32, #tpu.memory_space<vmem>>) dst(%dma_wait3A_200 : memref<1048576xf32, #tpu.memory_space<vmem_shared>>)
      tpu.yield
    }) : () -> ()
    %barrier3A_65 = arith.constant 0 : index
    tpu.barrier barrier_id(%barrier3A_65)
    %mul3A_66 = arith.constant 1048576 : i32
    %mul3A_67 = arith.muli %add3A_54, %mul3A_66 : i32
    %mul3A_68 = arith.constant 65536 : i32
    %mul3A_69 = arith.muli %arg1, %mul3A_68 : i32
    %add3A_70 = arith.addi %mul3A_67, %mul3A_69 : i32
    %mul3A_71 = arith.constant 65536 : i32
    %mul3A_72 = arith.muli %arg1, %mul3A_71 : i32
    %dma_start3A_73 = tpu.memref_slice %arg6[%add3A_70] : memref<16777216xf32, #tpu.memory_space<hbm>> -> memref<65536xf32, #tpu.memory_space<hbm>>
    %dma_start3A_74 = tpu.memref_slice %arg12[%mul3A_72] : memref<1048576xf32, #tpu.memory_space<vmem_shared>> -> memref<65536xf32, #tpu.memory_space<vmem_shared>>
    tpu.enqueue_dma source(%dma_start3A_74 : memref<65536xf32, #tpu.memory_space<vmem_shared>>) target(%dma_start3A_73 : memref<65536xf32, #tpu.memory_space<hbm>>) target_semaphore(%arg13 : memref<!tpu.dma_semaphore, #tpu.memory_space<semaphore_mem>>)
    %mul3A_75 = arith.constant 8 : i32
    %mul3A_76 = arith.muli %arg0, %mul3A_75 : i32
    %add3A_77 = arith.constant 3 : i32
    %add3A_78 = arith.addi %mul3A_76, %add3A_77 : i32
    %scan3A_79 = arith.constant 0 : i32
    %scan3A_80 = arith.constant 0 : i32
    %scan3A_81 = arith.constant 656 : i32
    %scan3A_82 = arith.addi %scan3A_80, %scan3A_81 : i32
    %scan3A_83 = arith.constant 1 : i32
    scf.for %scan3A_197 = %scan3A_80 to %scan3A_82 step %scan3A_83  : i32 {
      %mul3A_198 = arith.constant 16 : i32
      %mul3A_199 = arith.muli %scan3A_197, %mul3A_198 : i32
      %get3A = arith.index_cast %mul3A_199 : i32 to index
      %get3A_200 = tpu.vector_load %arg7[%get3A] {strides = array<i32>} : memref<10496xi32, #tpu.memory_space<vmem>>, vector<16xi32>,
      %get3A_201 = vector.shape_cast %get3A_200 : vector<16xi32> to vector<16xi32>
      %eq3A = vector.broadcast %add3A_78 : i32 to vector<16xi32>
      %eq3A_202 = arith.cmpi eq, %get3A_201, %eq3A : vector<16xi32>
      %get3A_203 = arith.index_cast %mul3A_199 : i32 to index
      %get3A_204 = tpu.vector_load %arg9[%get3A_203] {strides = array<i32>} : memref<10496xf32, #tpu.memory_space<vmem>>, vector<16xf32>,
      %get3A_205 = vector.shape_cast %get3A_204 : vector<16xf32> to vector<16xf32>
      %jit3A = arith.constant 0.000000e+00 : f32
      %broadcast_in_dim3A = vector.broadcast %jit3A : f32 to vector<16xf32>
      %select_n3A = arith.select %eq3A_202, %get3A_205, %broadcast_in_dim3A : vector<16xi1>, vector<16xf32>
      %swap3A = arith.index_cast %mul3A_199 : i32 to index
      %swap3A_206 = tpu.vector_load %arg10[%swap3A] {strides = array<i32>} : memref<10496xf32, #tpu.memory_space<vmem>>, vector<16xf32>,
      %swap3A_207 = vector.shape_cast %swap3A_206 : vector<16xf32> to vector<16xf32>
      %swap3A_208 = vector.shape_cast %select_n3A : vector<16xf32> to vector<16xf32>
      tpu.vector_store %arg10[%swap3A], %swap3A_208 {strides = array<i32>} : memref<10496xf32, #tpu.memory_space<vmem>>, vector<16xf32>,
    }
    %scan3A_84 = arith.constant 656 : i32
    %dma_wait3A_85 = tpu.memref_slice %arg6[%add3A_70] : memref<16777216xf32, #tpu.memory_space<hbm>> -> memref<65536xf32, #tpu.memory_space<hbm>>
    %dma_wait3A_86 = tpu.memref_slice %arg12[%mul3A_72] : memref<1048576xf32, #tpu.memory_space<vmem_shared>> -> memref<65536xf32, #tpu.memory_space<vmem_shared>>
    tpu.wait_dma2 semaphore(%arg13 : memref<!tpu.dma_semaphore, #tpu.memory_space<semaphore_mem>>) src(%dma_wait3A_86 : memref<65536xf32, #tpu.memory_space<vmem_shared>>) dst(%dma_wait3A_85 : memref<65536xf32, #tpu.memory_space<hbm>>)
    %barrier3A_87 = arith.constant 0 : index
    tpu.barrier barrier_id(%barrier3A_87)
    "tpu.region"() ({
      %run_scoped3A = tpu.sem_alloc : memref<!tpu.dma_semaphore, #tpu.memory_space<semaphore_mem>>
      %dma_start3A_197 = arith.constant 0 : i32
      %dma_start3A_198 = tpu.memref_slice %arg12[%dma_start3A_197] : memref<1048576xf32, #tpu.memory_space<vmem_shared>> -> memref<1048576xf32, #tpu.memory_space<vmem_shared>>
      tpu.enqueue_indirect_dma source(%arg11 : memref<10496xf32, #tpu.memory_space<vmem>>) target(%dma_start3A_198 : memref<1048576xf32, #tpu.memory_space<vmem_shared>>) offsets(%arg8 : memref<10496xi32, #tpu.memory_space<vmem>>) semaphore(%run_scoped3A : memref<!tpu.dma_semaphore, #tpu.memory_space<semaphore_mem>>)
      %dma_wait3A_199 = arith.constant 0 : i32
      %dma_wait3A_200 = tpu.memref_slice %arg12[%dma_wait3A_199] : memref<1048576xf32, #tpu.memory_space<vmem_shared>> -> memref<1048576xf32, #tpu.memory_space<vmem_shared>>
      tpu.wait_indirect_dma semaphore(%run_scoped3A : memref<!tpu.dma_semaphore, #tpu.memory_space<semaphore_mem>>) src(%arg11 : memref<10496xf32, #tpu.memory_space<vmem>>) dst(%dma_wait3A_200 : memref<1048576xf32, #tpu.memory_space<vmem_shared>>)
      tpu.yield
    }) : () -> ()
    %barrier3A_88 = arith.constant 0 : index
    tpu.barrier barrier_id(%barrier3A_88)
    "tpu.region"() ({
      %run_scoped3A = tpu.sem_alloc : memref<!tpu.dma_semaphore, #tpu.memory_space<semaphore_mem>>
      %dma_start3A_197 = arith.constant 0 : i32
      %dma_start3A_198 = tpu.memref_slice %arg12[%dma_start3A_197] : memref<1048576xf32, #tpu.memory_space<vmem_shared>> -> memref<1048576xf32, #tpu.memory_space<vmem_shared>>
      tpu.enqueue_indirect_dma source(%arg10 : memref<10496xf32, #tpu.memory_space<vmem>>) target(%dma_start3A_198 : memref<1048576xf32, #tpu.memory_space<vmem_shared>>) offsets(%arg8 : memref<10496xi32, #tpu.memory_space<vmem>>) semaphore(%run_scoped3A : memref<!tpu.dma_semaphore, #tpu.memory_space<semaphore_mem>>) {add = true}
      %dma_wait3A_199 = arith.constant 0 : i32
      %dma_wait3A_200 = tpu.memref_slice %arg12[%dma_wait3A_199] : memref<1048576xf32, #tpu.memory_space<vmem_shared>> -> memref<1048576xf32, #tpu.memory_space<vmem_shared>>
      tpu.wait_indirect_dma semaphore(%run_scoped3A : memref<!tpu.dma_semaphore, #tpu.memory_space<semaphore_mem>>) src(%arg10 : memref<10496xf32, #tpu.memory_space<vmem>>) dst(%dma_wait3A_200 : memref<1048576xf32, #tpu.memory_space<vmem_shared>>)
      tpu.yield
    }) : () -> ()
    %barrier3A_89 = arith.constant 0 : index
    tpu.barrier barrier_id(%barrier3A_89)
    %mul3A_90 = arith.constant 1048576 : i32
    %mul3A_91 = arith.muli %add3A_78, %mul3A_90 : i32
    %mul3A_92 = arith.constant 65536 : i32
    %mul3A_93 = arith.muli %arg1, %mul3A_92 : i32
    %add3A_94 = arith.addi %mul3A_91, %mul3A_93 : i32
    %mul3A_95 = arith.constant 65536 : i32
    %mul3A_96 = arith.muli %arg1, %mul3A_95 : i32
    %dma_start3A_97 = tpu.memref_slice %arg6[%add3A_94] : memref<16777216xf32, #tpu.memory_space<hbm>> -> memref<65536xf32, #tpu.memory_space<hbm>>
    %dma_start3A_98 = tpu.memref_slice %arg12[%mul3A_96] : memref<1048576xf32, #tpu.memory_space<vmem_shared>> -> memref<65536xf32, #tpu.memory_space<vmem_shared>>
    tpu.enqueue_dma source(%dma_start3A_98 : memref<65536xf32, #tpu.memory_space<vmem_shared>>) target(%dma_start3A_97 : memref<65536xf32, #tpu.memory_space<hbm>>) target_semaphore(%arg13 : memref<!tpu.dma_semaphore, #tpu.memory_space<semaphore_mem>>)
    %mul3A_99 = arith.constant 8 : i32
    %mul3A_100 = arith.muli %arg0, %mul3A_99 : i32
    %add3A_101 = arith.constant 4 : i32
    %add3A_102 = arith.addi %mul3A_100, %add3A_101 : i32
    %scan3A_103 = arith.constant 0 : i32
    %scan3A_104 = arith.constant 0 : i32
    %scan3A_105 = arith.constant 656 : i32
    %scan3A_106 = arith.addi %scan3A_104, %scan3A_105 : i32
    %scan3A_107 = arith.constant 1 : i32
    scf.for %scan3A_197 = %scan3A_104 to %scan3A_106 step %scan3A_107  : i32 {
      %mul3A_198 = arith.constant 16 : i32
      %mul3A_199 = arith.muli %scan3A_197, %mul3A_198 : i32
      %get3A = arith.index_cast %mul3A_199 : i32 to index
      %get3A_200 = tpu.vector_load %arg7[%get3A] {strides = array<i32>} : memref<10496xi32, #tpu.memory_space<vmem>>, vector<16xi32>,
      %get3A_201 = vector.shape_cast %get3A_200 : vector<16xi32> to vector<16xi32>
      %eq3A = vector.broadcast %add3A_102 : i32 to vector<16xi32>
      %eq3A_202 = arith.cmpi eq, %get3A_201, %eq3A : vector<16xi32>
      %get3A_203 = arith.index_cast %mul3A_199 : i32 to index
      %get3A_204 = tpu.vector_load %arg9[%get3A_203] {strides = array<i32>} : memref<10496xf32, #tpu.memory_space<vmem>>, vector<16xf32>,
      %get3A_205 = vector.shape_cast %get3A_204 : vector<16xf32> to vector<16xf32>
      %jit3A = arith.constant 0.000000e+00 : f32
      %broadcast_in_dim3A = vector.broadcast %jit3A : f32 to vector<16xf32>
      %select_n3A = arith.select %eq3A_202, %get3A_205, %broadcast_in_dim3A : vector<16xi1>, vector<16xf32>
      %swap3A = arith.index_cast %mul3A_199 : i32 to index
      %swap3A_206 = tpu.vector_load %arg10[%swap3A] {strides = array<i32>} : memref<10496xf32, #tpu.memory_space<vmem>>, vector<16xf32>,
      %swap3A_207 = vector.shape_cast %swap3A_206 : vector<16xf32> to vector<16xf32>
      %swap3A_208 = vector.shape_cast %select_n3A : vector<16xf32> to vector<16xf32>
      tpu.vector_store %arg10[%swap3A], %swap3A_208 {strides = array<i32>} : memref<10496xf32, #tpu.memory_space<vmem>>, vector<16xf32>,
    }
    %scan3A_108 = arith.constant 656 : i32
    %dma_wait3A_109 = tpu.memref_slice %arg6[%add3A_94] : memref<16777216xf32, #tpu.memory_space<hbm>> -> memref<65536xf32, #tpu.memory_space<hbm>>
    %dma_wait3A_110 = tpu.memref_slice %arg12[%mul3A_96] : memref<1048576xf32, #tpu.memory_space<vmem_shared>> -> memref<65536xf32, #tpu.memory_space<vmem_shared>>
    tpu.wait_dma2 semaphore(%arg13 : memref<!tpu.dma_semaphore, #tpu.memory_space<semaphore_mem>>) src(%dma_wait3A_110 : memref<65536xf32, #tpu.memory_space<vmem_shared>>) dst(%dma_wait3A_109 : memref<65536xf32, #tpu.memory_space<hbm>>)
    %barrier3A_111 = arith.constant 0 : index
    tpu.barrier barrier_id(%barrier3A_111)
    "tpu.region"() ({
      %run_scoped3A = tpu.sem_alloc : memref<!tpu.dma_semaphore, #tpu.memory_space<semaphore_mem>>
      %dma_start3A_197 = arith.constant 0 : i32
      %dma_start3A_198 = tpu.memref_slice %arg12[%dma_start3A_197] : memref<1048576xf32, #tpu.memory_space<vmem_shared>> -> memref<1048576xf32, #tpu.memory_space<vmem_shared>>
      tpu.enqueue_indirect_dma source(%arg11 : memref<10496xf32, #tpu.memory_space<vmem>>) target(%dma_start3A_198 : memref<1048576xf32, #tpu.memory_space<vmem_shared>>) offsets(%arg8 : memref<10496xi32, #tpu.memory_space<vmem>>) semaphore(%run_scoped3A : memref<!tpu.dma_semaphore, #tpu.memory_space<semaphore_mem>>)
      %dma_wait3A_199 = arith.constant 0 : i32
      %dma_wait3A_200 = tpu.memref_slice %arg12[%dma_wait3A_199] : memref<1048576xf32, #tpu.memory_space<vmem_shared>> -> memref<1048576xf32, #tpu.memory_space<vmem_shared>>
      tpu.wait_indirect_dma semaphore(%run_scoped3A : memref<!tpu.dma_semaphore, #tpu.memory_space<semaphore_mem>>) src(%arg11 : memref<10496xf32, #tpu.memory_space<vmem>>) dst(%dma_wait3A_200 : memref<1048576xf32, #tpu.memory_space<vmem_shared>>)
      tpu.yield
    }) : () -> ()
    %barrier3A_112 = arith.constant 0 : index
    tpu.barrier barrier_id(%barrier3A_112)
    "tpu.region"() ({
      %run_scoped3A = tpu.sem_alloc : memref<!tpu.dma_semaphore, #tpu.memory_space<semaphore_mem>>
      %dma_start3A_197 = arith.constant 0 : i32
      %dma_start3A_198 = tpu.memref_slice %arg12[%dma_start3A_197] : memref<1048576xf32, #tpu.memory_space<vmem_shared>> -> memref<1048576xf32, #tpu.memory_space<vmem_shared>>
      tpu.enqueue_indirect_dma source(%arg10 : memref<10496xf32, #tpu.memory_space<vmem>>) target(%dma_start3A_198 : memref<1048576xf32, #tpu.memory_space<vmem_shared>>) offsets(%arg8 : memref<10496xi32, #tpu.memory_space<vmem>>) semaphore(%run_scoped3A : memref<!tpu.dma_semaphore, #tpu.memory_space<semaphore_mem>>) {add = true}
      %dma_wait3A_199 = arith.constant 0 : i32
      %dma_wait3A_200 = tpu.memref_slice %arg12[%dma_wait3A_199] : memref<1048576xf32, #tpu.memory_space<vmem_shared>> -> memref<1048576xf32, #tpu.memory_space<vmem_shared>>
      tpu.wait_indirect_dma semaphore(%run_scoped3A : memref<!tpu.dma_semaphore, #tpu.memory_space<semaphore_mem>>) src(%arg10 : memref<10496xf32, #tpu.memory_space<vmem>>) dst(%dma_wait3A_200 : memref<1048576xf32, #tpu.memory_space<vmem_shared>>)
      tpu.yield
    }) : () -> ()
    %barrier3A_113 = arith.constant 0 : index
    tpu.barrier barrier_id(%barrier3A_113)
    %mul3A_114 = arith.constant 1048576 : i32
    %mul3A_115 = arith.muli %add3A_102, %mul3A_114 : i32
    %mul3A_116 = arith.constant 65536 : i32
    %mul3A_117 = arith.muli %arg1, %mul3A_116 : i32
    %add3A_118 = arith.addi %mul3A_115, %mul3A_117 : i32
    %mul3A_119 = arith.constant 65536 : i32
    %mul3A_120 = arith.muli %arg1, %mul3A_119 : i32
    %dma_start3A_121 = tpu.memref_slice %arg6[%add3A_118] : memref<16777216xf32, #tpu.memory_space<hbm>> -> memref<65536xf32, #tpu.memory_space<hbm>>
    %dma_start3A_122 = tpu.memref_slice %arg12[%mul3A_120] : memref<1048576xf32, #tpu.memory_space<vmem_shared>> -> memref<65536xf32, #tpu.memory_space<vmem_shared>>
    tpu.enqueue_dma source(%dma_start3A_122 : memref<65536xf32, #tpu.memory_space<vmem_shared>>) target(%dma_start3A_121 : memref<65536xf32, #tpu.memory_space<hbm>>) target_semaphore(%arg13 : memref<!tpu.dma_semaphore, #tpu.memory_space<semaphore_mem>>)
    %mul3A_123 = arith.constant 8 : i32
    %mul3A_124 = arith.muli %arg0, %mul3A_123 : i32
    %add3A_125 = arith.constant 5 : i32
    %add3A_126 = arith.addi %mul3A_124, %add3A_125 : i32
    %scan3A_127 = arith.constant 0 : i32
    %scan3A_128 = arith.constant 0 : i32
    %scan3A_129 = arith.constant 656 : i32
    %scan3A_130 = arith.addi %scan3A_128, %scan3A_129 : i32
    %scan3A_131 = arith.constant 1 : i32
    scf.for %scan3A_197 = %scan3A_128 to %scan3A_130 step %scan3A_131  : i32 {
      %mul3A_198 = arith.constant 16 : i32
      %mul3A_199 = arith.muli %scan3A_197, %mul3A_198 : i32
      %get3A = arith.index_cast %mul3A_199 : i32 to index
      %get3A_200 = tpu.vector_load %arg7[%get3A] {strides = array<i32>} : memref<10496xi32, #tpu.memory_space<vmem>>, vector<16xi32>,
      %get3A_201 = vector.shape_cast %get3A_200 : vector<16xi32> to vector<16xi32>
      %eq3A = vector.broadcast %add3A_126 : i32 to vector<16xi32>
      %eq3A_202 = arith.cmpi eq, %get3A_201, %eq3A : vector<16xi32>
      %get3A_203 = arith.index_cast %mul3A_199 : i32 to index
      %get3A_204 = tpu.vector_load %arg9[%get3A_203] {strides = array<i32>} : memref<10496xf32, #tpu.memory_space<vmem>>, vector<16xf32>,
      %get3A_205 = vector.shape_cast %get3A_204 : vector<16xf32> to vector<16xf32>
      %jit3A = arith.constant 0.000000e+00 : f32
      %broadcast_in_dim3A = vector.broadcast %jit3A : f32 to vector<16xf32>
      %select_n3A = arith.select %eq3A_202, %get3A_205, %broadcast_in_dim3A : vector<16xi1>, vector<16xf32>
      %swap3A = arith.index_cast %mul3A_199 : i32 to index
      %swap3A_206 = tpu.vector_load %arg10[%swap3A] {strides = array<i32>} : memref<10496xf32, #tpu.memory_space<vmem>>, vector<16xf32>,
      %swap3A_207 = vector.shape_cast %swap3A_206 : vector<16xf32> to vector<16xf32>
      %swap3A_208 = vector.shape_cast %select_n3A : vector<16xf32> to vector<16xf32>
      tpu.vector_store %arg10[%swap3A], %swap3A_208 {strides = array<i32>} : memref<10496xf32, #tpu.memory_space<vmem>>, vector<16xf32>,
    }
    %scan3A_132 = arith.constant 656 : i32
    %dma_wait3A_133 = tpu.memref_slice %arg6[%add3A_118] : memref<16777216xf32, #tpu.memory_space<hbm>> -> memref<65536xf32, #tpu.memory_space<hbm>>
    %dma_wait3A_134 = tpu.memref_slice %arg12[%mul3A_120] : memref<1048576xf32, #tpu.memory_space<vmem_shared>> -> memref<65536xf32, #tpu.memory_space<vmem_shared>>
    tpu.wait_dma2 semaphore(%arg13 : memref<!tpu.dma_semaphore, #tpu.memory_space<semaphore_mem>>) src(%dma_wait3A_134 : memref<65536xf32, #tpu.memory_space<vmem_shared>>) dst(%dma_wait3A_133 : memref<65536xf32, #tpu.memory_space<hbm>>)
    %barrier3A_135 = arith.constant 0 : index
    tpu.barrier barrier_id(%barrier3A_135)
    "tpu.region"() ({
      %run_scoped3A = tpu.sem_alloc : memref<!tpu.dma_semaphore, #tpu.memory_space<semaphore_mem>>
      %dma_start3A_197 = arith.constant 0 : i32
      %dma_start3A_198 = tpu.memref_slice %arg12[%dma_start3A_197] : memref<1048576xf32, #tpu.memory_space<vmem_shared>> -> memref<1048576xf32, #tpu.memory_space<vmem_shared>>
      tpu.enqueue_indirect_dma source(%arg11 : memref<10496xf32, #tpu.memory_space<vmem>>) target(%dma_start3A_198 : memref<1048576xf32, #tpu.memory_space<vmem_shared>>) offsets(%arg8 : memref<10496xi32, #tpu.memory_space<vmem>>) semaphore(%run_scoped3A : memref<!tpu.dma_semaphore, #tpu.memory_space<semaphore_mem>>)
      %dma_wait3A_199 = arith.constant 0 : i32
      %dma_wait3A_200 = tpu.memref_slice %arg12[%dma_wait3A_199] : memref<1048576xf32, #tpu.memory_space<vmem_shared>> -> memref<1048576xf32, #tpu.memory_space<vmem_shared>>
      tpu.wait_indirect_dma semaphore(%run_scoped3A : memref<!tpu.dma_semaphore, #tpu.memory_space<semaphore_mem>>) src(%arg11 : memref<10496xf32, #tpu.memory_space<vmem>>) dst(%dma_wait3A_200 : memref<1048576xf32, #tpu.memory_space<vmem_shared>>)
      tpu.yield
    }) : () -> ()
    %barrier3A_136 = arith.constant 0 : index
    tpu.barrier barrier_id(%barrier3A_136)
    "tpu.region"() ({
      %run_scoped3A = tpu.sem_alloc : memref<!tpu.dma_semaphore, #tpu.memory_space<semaphore_mem>>
      %dma_start3A_197 = arith.constant 0 : i32
      %dma_start3A_198 = tpu.memref_slice %arg12[%dma_start3A_197] : memref<1048576xf32, #tpu.memory_space<vmem_shared>> -> memref<1048576xf32, #tpu.memory_space<vmem_shared>>
      tpu.enqueue_indirect_dma source(%arg10 : memref<10496xf32, #tpu.memory_space<vmem>>) target(%dma_start3A_198 : memref<1048576xf32, #tpu.memory_space<vmem_shared>>) offsets(%arg8 : memref<10496xi32, #tpu.memory_space<vmem>>) semaphore(%run_scoped3A : memref<!tpu.dma_semaphore, #tpu.memory_space<semaphore_mem>>) {add = true}
      %dma_wait3A_199 = arith.constant 0 : i32
      %dma_wait3A_200 = tpu.memref_slice %arg12[%dma_wait3A_199] : memref<1048576xf32, #tpu.memory_space<vmem_shared>> -> memref<1048576xf32, #tpu.memory_space<vmem_shared>>
      tpu.wait_indirect_dma semaphore(%run_scoped3A : memref<!tpu.dma_semaphore, #tpu.memory_space<semaphore_mem>>) src(%arg10 : memref<10496xf32, #tpu.memory_space<vmem>>) dst(%dma_wait3A_200 : memref<1048576xf32, #tpu.memory_space<vmem_shared>>)
      tpu.yield
    }) : () -> ()
    %barrier3A_137 = arith.constant 0 : index
    tpu.barrier barrier_id(%barrier3A_137)
    %mul3A_138 = arith.constant 1048576 : i32
    %mul3A_139 = arith.muli %add3A_126, %mul3A_138 : i32
    %mul3A_140 = arith.constant 65536 : i32
    %mul3A_141 = arith.muli %arg1, %mul3A_140 : i32
    %add3A_142 = arith.addi %mul3A_139, %mul3A_141 : i32
    %mul3A_143 = arith.constant 65536 : i32
    %mul3A_144 = arith.muli %arg1, %mul3A_143 : i32
    %dma_start3A_145 = tpu.memref_slice %arg6[%add3A_142] : memref<16777216xf32, #tpu.memory_space<hbm>> -> memref<65536xf32, #tpu.memory_space<hbm>>
    %dma_start3A_146 = tpu.memref_slice %arg12[%mul3A_144] : memref<1048576xf32, #tpu.memory_space<vmem_shared>> -> memref<65536xf32, #tpu.memory_space<vmem_shared>>
    tpu.enqueue_dma source(%dma_start3A_146 : memref<65536xf32, #tpu.memory_space<vmem_shared>>) target(%dma_start3A_145 : memref<65536xf32, #tpu.memory_space<hbm>>) target_semaphore(%arg13 : memref<!tpu.dma_semaphore, #tpu.memory_space<semaphore_mem>>)
    %mul3A_147 = arith.constant 8 : i32
    %mul3A_148 = arith.muli %arg0, %mul3A_147 : i32
    %add3A_149 = arith.constant 6 : i32
    %add3A_150 = arith.addi %mul3A_148, %add3A_149 : i32
    %scan3A_151 = arith.constant 0 : i32
    %scan3A_152 = arith.constant 0 : i32
    %scan3A_153 = arith.constant 656 : i32
    %scan3A_154 = arith.addi %scan3A_152, %scan3A_153 : i32
    %scan3A_155 = arith.constant 1 : i32
    scf.for %scan3A_197 = %scan3A_152 to %scan3A_154 step %scan3A_155  : i32 {
      %mul3A_198 = arith.constant 16 : i32
      %mul3A_199 = arith.muli %scan3A_197, %mul3A_198 : i32
      %get3A = arith.index_cast %mul3A_199 : i32 to index
      %get3A_200 = tpu.vector_load %arg7[%get3A] {strides = array<i32>} : memref<10496xi32, #tpu.memory_space<vmem>>, vector<16xi32>,
      %get3A_201 = vector.shape_cast %get3A_200 : vector<16xi32> to vector<16xi32>
      %eq3A = vector.broadcast %add3A_150 : i32 to vector<16xi32>
      %eq3A_202 = arith.cmpi eq, %get3A_201, %eq3A : vector<16xi32>
      %get3A_203 = arith.index_cast %mul3A_199 : i32 to index
      %get3A_204 = tpu.vector_load %arg9[%get3A_203] {strides = array<i32>} : memref<10496xf32, #tpu.memory_space<vmem>>, vector<16xf32>,
      %get3A_205 = vector.shape_cast %get3A_204 : vector<16xf32> to vector<16xf32>
      %jit3A = arith.constant 0.000000e+00 : f32
      %broadcast_in_dim3A = vector.broadcast %jit3A : f32 to vector<16xf32>
      %select_n3A = arith.select %eq3A_202, %get3A_205, %broadcast_in_dim3A : vector<16xi1>, vector<16xf32>
      %swap3A = arith.index_cast %mul3A_199 : i32 to index
      %swap3A_206 = tpu.vector_load %arg10[%swap3A] {strides = array<i32>} : memref<10496xf32, #tpu.memory_space<vmem>>, vector<16xf32>,
      %swap3A_207 = vector.shape_cast %swap3A_206 : vector<16xf32> to vector<16xf32>
      %swap3A_208 = vector.shape_cast %select_n3A : vector<16xf32> to vector<16xf32>
      tpu.vector_store %arg10[%swap3A], %swap3A_208 {strides = array<i32>} : memref<10496xf32, #tpu.memory_space<vmem>>, vector<16xf32>,
    }
    %scan3A_156 = arith.constant 656 : i32
    %dma_wait3A_157 = tpu.memref_slice %arg6[%add3A_142] : memref<16777216xf32, #tpu.memory_space<hbm>> -> memref<65536xf32, #tpu.memory_space<hbm>>
    %dma_wait3A_158 = tpu.memref_slice %arg12[%mul3A_144] : memref<1048576xf32, #tpu.memory_space<vmem_shared>> -> memref<65536xf32, #tpu.memory_space<vmem_shared>>
    tpu.wait_dma2 semaphore(%arg13 : memref<!tpu.dma_semaphore, #tpu.memory_space<semaphore_mem>>) src(%dma_wait3A_158 : memref<65536xf32, #tpu.memory_space<vmem_shared>>) dst(%dma_wait3A_157 : memref<65536xf32, #tpu.memory_space<hbm>>)
    %barrier3A_159 = arith.constant 0 : index
    tpu.barrier barrier_id(%barrier3A_159)
    "tpu.region"() ({
      %run_scoped3A = tpu.sem_alloc : memref<!tpu.dma_semaphore, #tpu.memory_space<semaphore_mem>>
      %dma_start3A_197 = arith.constant 0 : i32
      %dma_start3A_198 = tpu.memref_slice %arg12[%dma_start3A_197] : memref<1048576xf32, #tpu.memory_space<vmem_shared>> -> memref<1048576xf32, #tpu.memory_space<vmem_shared>>
      tpu.enqueue_indirect_dma source(%arg11 : memref<10496xf32, #tpu.memory_space<vmem>>) target(%dma_start3A_198 : memref<1048576xf32, #tpu.memory_space<vmem_shared>>) offsets(%arg8 : memref<10496xi32, #tpu.memory_space<vmem>>) semaphore(%run_scoped3A : memref<!tpu.dma_semaphore, #tpu.memory_space<semaphore_mem>>)
      %dma_wait3A_199 = arith.constant 0 : i32
      %dma_wait3A_200 = tpu.memref_slice %arg12[%dma_wait3A_199] : memref<1048576xf32, #tpu.memory_space<vmem_shared>> -> memref<1048576xf32, #tpu.memory_space<vmem_shared>>
      tpu.wait_indirect_dma semaphore(%run_scoped3A : memref<!tpu.dma_semaphore, #tpu.memory_space<semaphore_mem>>) src(%arg11 : memref<10496xf32, #tpu.memory_space<vmem>>) dst(%dma_wait3A_200 : memref<1048576xf32, #tpu.memory_space<vmem_shared>>)
      tpu.yield
    }) : () -> ()
    %barrier3A_160 = arith.constant 0 : index
    tpu.barrier barrier_id(%barrier3A_160)
    "tpu.region"() ({
      %run_scoped3A = tpu.sem_alloc : memref<!tpu.dma_semaphore, #tpu.memory_space<semaphore_mem>>
      %dma_start3A_197 = arith.constant 0 : i32
      %dma_start3A_198 = tpu.memref_slice %arg12[%dma_start3A_197] : memref<1048576xf32, #tpu.memory_space<vmem_shared>> -> memref<1048576xf32, #tpu.memory_space<vmem_shared>>
      tpu.enqueue_indirect_dma source(%arg10 : memref<10496xf32, #tpu.memory_space<vmem>>) target(%dma_start3A_198 : memref<1048576xf32, #tpu.memory_space<vmem_shared>>) offsets(%arg8 : memref<10496xi32, #tpu.memory_space<vmem>>) semaphore(%run_scoped3A : memref<!tpu.dma_semaphore, #tpu.memory_space<semaphore_mem>>) {add = true}
      %dma_wait3A_199 = arith.constant 0 : i32
      %dma_wait3A_200 = tpu.memref_slice %arg12[%dma_wait3A_199] : memref<1048576xf32, #tpu.memory_space<vmem_shared>> -> memref<1048576xf32, #tpu.memory_space<vmem_shared>>
      tpu.wait_indirect_dma semaphore(%run_scoped3A : memref<!tpu.dma_semaphore, #tpu.memory_space<semaphore_mem>>) src(%arg10 : memref<10496xf32, #tpu.memory_space<vmem>>) dst(%dma_wait3A_200 : memref<1048576xf32, #tpu.memory_space<vmem_shared>>)
      tpu.yield
    }) : () -> ()
    %barrier3A_161 = arith.constant 0 : index
    tpu.barrier barrier_id(%barrier3A_161)
    %mul3A_162 = arith.constant 1048576 : i32
    %mul3A_163 = arith.muli %add3A_150, %mul3A_162 : i32
    %mul3A_164 = arith.constant 65536 : i32
    %mul3A_165 = arith.muli %arg1, %mul3A_164 : i32
    %add3A_166 = arith.addi %mul3A_163, %mul3A_165 : i32
    %mul3A_167 = arith.constant 65536 : i32
    %mul3A_168 = arith.muli %arg1, %mul3A_167 : i32
    %dma_start3A_169 = tpu.memref_slice %arg6[%add3A_166] : memref<16777216xf32, #tpu.memory_space<hbm>> -> memref<65536xf32, #tpu.memory_space<hbm>>
    %dma_start3A_170 = tpu.memref_slice %arg12[%mul3A_168] : memref<1048576xf32, #tpu.memory_space<vmem_shared>> -> memref<65536xf32, #tpu.memory_space<vmem_shared>>
    tpu.enqueue_dma source(%dma_start3A_170 : memref<65536xf32, #tpu.memory_space<vmem_shared>>) target(%dma_start3A_169 : memref<65536xf32, #tpu.memory_space<hbm>>) target_semaphore(%arg13 : memref<!tpu.dma_semaphore, #tpu.memory_space<semaphore_mem>>)
    %mul3A_171 = arith.constant 8 : i32
    %mul3A_172 = arith.muli %arg0, %mul3A_171 : i32
    %add3A_173 = arith.constant 7 : i32
    %add3A_174 = arith.addi %mul3A_172, %add3A_173 : i32
    %scan3A_175 = arith.constant 0 : i32
    %scan3A_176 = arith.constant 0 : i32
    %scan3A_177 = arith.constant 656 : i32
    %scan3A_178 = arith.addi %scan3A_176, %scan3A_177 : i32
    %scan3A_179 = arith.constant 1 : i32
    scf.for %scan3A_197 = %scan3A_176 to %scan3A_178 step %scan3A_179  : i32 {
      %mul3A_198 = arith.constant 16 : i32
      %mul3A_199 = arith.muli %scan3A_197, %mul3A_198 : i32
      %get3A = arith.index_cast %mul3A_199 : i32 to index
      %get3A_200 = tpu.vector_load %arg7[%get3A] {strides = array<i32>} : memref<10496xi32, #tpu.memory_space<vmem>>, vector<16xi32>,
      %get3A_201 = vector.shape_cast %get3A_200 : vector<16xi32> to vector<16xi32>
      %eq3A = vector.broadcast %add3A_174 : i32 to vector<16xi32>
      %eq3A_202 = arith.cmpi eq, %get3A_201, %eq3A : vector<16xi32>
      %get3A_203 = arith.index_cast %mul3A_199 : i32 to index
      %get3A_204 = tpu.vector_load %arg9[%get3A_203] {strides = array<i32>} : memref<10496xf32, #tpu.memory_space<vmem>>, vector<16xf32>,
      %get3A_205 = vector.shape_cast %get3A_204 : vector<16xf32> to vector<16xf32>
      %jit3A = arith.constant 0.000000e+00 : f32
      %broadcast_in_dim3A = vector.broadcast %jit3A : f32 to vector<16xf32>
      %select_n3A = arith.select %eq3A_202, %get3A_205, %broadcast_in_dim3A : vector<16xi1>, vector<16xf32>
      %swap3A = arith.index_cast %mul3A_199 : i32 to index
      %swap3A_206 = tpu.vector_load %arg10[%swap3A] {strides = array<i32>} : memref<10496xf32, #tpu.memory_space<vmem>>, vector<16xf32>,
      %swap3A_207 = vector.shape_cast %swap3A_206 : vector<16xf32> to vector<16xf32>
      %swap3A_208 = vector.shape_cast %select_n3A : vector<16xf32> to vector<16xf32>
      tpu.vector_store %arg10[%swap3A], %swap3A_208 {strides = array<i32>} : memref<10496xf32, #tpu.memory_space<vmem>>, vector<16xf32>,
    }
    %scan3A_180 = arith.constant 656 : i32
    %dma_wait3A_181 = tpu.memref_slice %arg6[%add3A_166] : memref<16777216xf32, #tpu.memory_space<hbm>> -> memref<65536xf32, #tpu.memory_space<hbm>>
    %dma_wait3A_182 = tpu.memref_slice %arg12[%mul3A_168] : memref<1048576xf32, #tpu.memory_space<vmem_shared>> -> memref<65536xf32, #tpu.memory_space<vmem_shared>>
    tpu.wait_dma2 semaphore(%arg13 : memref<!tpu.dma_semaphore, #tpu.memory_space<semaphore_mem>>) src(%dma_wait3A_182 : memref<65536xf32, #tpu.memory_space<vmem_shared>>) dst(%dma_wait3A_181 : memref<65536xf32, #tpu.memory_space<hbm>>)
    %barrier3A_183 = arith.constant 0 : index
    tpu.barrier barrier_id(%barrier3A_183)
    "tpu.region"() ({
      %run_scoped3A = tpu.sem_alloc : memref<!tpu.dma_semaphore, #tpu.memory_space<semaphore_mem>>
      %dma_start3A_197 = arith.constant 0 : i32
      %dma_start3A_198 = tpu.memref_slice %arg12[%dma_start3A_197] : memref<1048576xf32, #tpu.memory_space<vmem_shared>> -> memref<1048576xf32, #tpu.memory_space<vmem_shared>>
      tpu.enqueue_indirect_dma source(%arg11 : memref<10496xf32, #tpu.memory_space<vmem>>) target(%dma_start3A_198 : memref<1048576xf32, #tpu.memory_space<vmem_shared>>) offsets(%arg8 : memref<10496xi32, #tpu.memory_space<vmem>>) semaphore(%run_scoped3A : memref<!tpu.dma_semaphore, #tpu.memory_space<semaphore_mem>>)
      %dma_wait3A_199 = arith.constant 0 : i32
      %dma_wait3A_200 = tpu.memref_slice %arg12[%dma_wait3A_199] : memref<1048576xf32, #tpu.memory_space<vmem_shared>> -> memref<1048576xf32, #tpu.memory_space<vmem_shared>>
      tpu.wait_indirect_dma semaphore(%run_scoped3A : memref<!tpu.dma_semaphore, #tpu.memory_space<semaphore_mem>>) src(%arg11 : memref<10496xf32, #tpu.memory_space<vmem>>) dst(%dma_wait3A_200 : memref<1048576xf32, #tpu.memory_space<vmem_shared>>)
      tpu.yield
    }) : () -> ()
    %barrier3A_184 = arith.constant 0 : index
    tpu.barrier barrier_id(%barrier3A_184)
    "tpu.region"() ({
      %run_scoped3A = tpu.sem_alloc : memref<!tpu.dma_semaphore, #tpu.memory_space<semaphore_mem>>
      %dma_start3A_197 = arith.constant 0 : i32
      %dma_start3A_198 = tpu.memref_slice %arg12[%dma_start3A_197] : memref<1048576xf32, #tpu.memory_space<vmem_shared>> -> memref<1048576xf32, #tpu.memory_space<vmem_shared>>
      tpu.enqueue_indirect_dma source(%arg10 : memref<10496xf32, #tpu.memory_space<vmem>>) target(%dma_start3A_198 : memref<1048576xf32, #tpu.memory_space<vmem_shared>>) offsets(%arg8 : memref<10496xi32, #tpu.memory_space<vmem>>) semaphore(%run_scoped3A : memref<!tpu.dma_semaphore, #tpu.memory_space<semaphore_mem>>) {add = true}
      %dma_wait3A_199 = arith.constant 0 : i32
      %dma_wait3A_200 = tpu.memref_slice %arg12[%dma_wait3A_199] : memref<1048576xf32, #tpu.memory_space<vmem_shared>> -> memref<1048576xf32, #tpu.memory_space<vmem_shared>>
      tpu.wait_indirect_dma semaphore(%run_scoped3A : memref<!tpu.dma_semaphore, #tpu.memory_space<semaphore_mem>>) src(%arg10 : memref<10496xf32, #tpu.memory_space<vmem>>) dst(%dma_wait3A_200 : memref<1048576xf32, #tpu.memory_space<vmem_shared>>)
      tpu.yield
    }) : () -> ()
    %barrier3A_185 = arith.constant 0 : index
    tpu.barrier barrier_id(%barrier3A_185)
    %mul3A_186 = arith.constant 1048576 : i32
    %mul3A_187 = arith.muli %add3A_174, %mul3A_186 : i32
    %mul3A_188 = arith.constant 65536 : i32
    %mul3A_189 = arith.muli %arg1, %mul3A_188 : i32
    %add3A_190 = arith.addi %mul3A_187, %mul3A_189 : i32
    %mul3A_191 = arith.constant 65536 : i32
    %mul3A_192 = arith.muli %arg1, %mul3A_191 : i32
    %dma_start3A_193 = tpu.memref_slice %arg6[%add3A_190] : memref<16777216xf32, #tpu.memory_space<hbm>> -> memref<65536xf32, #tpu.memory_space<hbm>>
    %dma_start3A_194 = tpu.memref_slice %arg12[%mul3A_192] : memref<1048576xf32, #tpu.memory_space<vmem_shared>> -> memref<65536xf32, #tpu.memory_space<vmem_shared>>
    tpu.enqueue_dma source(%dma_start3A_194 : memref<65536xf32, #tpu.memory_space<vmem_shared>>) target(%dma_start3A_193 : memref<65536xf32, #tpu.memory_space<hbm>>) target_semaphore(%arg13 : memref<!tpu.dma_semaphore, #tpu.memory_space<semaphore_mem>>)
    %dma_wait3A_195 = tpu.memref_slice %arg6[%add3A_190] : memref<16777216xf32, #tpu.memory_space<hbm>> -> memref<65536xf32, #tpu.memory_space<hbm>>
    %dma_wait3A_196 = tpu.memref_slice %arg12[%mul3A_192] : memref<1048576xf32, #tpu.memory_space<vmem_shared>> -> memref<65536xf32, #tpu.memory_space<vmem_shared>>
    tpu.wait_dma2 semaphore(%arg13 : memref<!tpu.dma_semaphore, #tpu.memory_space<semaphore_mem>>) src(%dma_wait3A_196 : memref<65536xf32, #tpu.memory_space<vmem_shared>>) dst(%dma_wait3A_195 : memref<65536xf32, #tpu.memory_space<hbm>>)
    return
  }
}

</mosaic_0001>

<sc_bundles>
// kernel: kernel.3.cloned.1.call-start
scs
__scs_entry_jumppad:
0x0: {  	(pc) =	sbr.rel $0x88, $3  }
0x1: {  	(tag) =	ssettag $0x0;
	lr =	simm.s32 $0x1  }
0x2: {  	[smem:$0x3F9F] =	sst lr;
	_ =	strace $0xD0000000  }
0x3: {  	_ = 	snop  }
0x4: {  	_ = 	snop  }
0x5: {  	_ = 	snop  }
0x6: {  	_ = 	snop  }
0x7: {  	_ = 	snop  }
__scs_overlays_trampoline_lowered:
0x8: {  	[smem:$0x3FAE] =	sst s0  }
0x9: {  	[smem:$0x3FAF] =	sst s1  }
0xa: {  	[smem:$0x3FB0] =	sst s2  }
0xb: {  	[smem:$0x3FB1] =	sst s3  }
0xc: {  	[smem:$0x3FB2] =	sst s4  }
0xd: {  	[smem:$0x3FB3] =	sst s5  }
0xe: {  	[smem:$0x3FB4] =	sst s6  }
0xf: {  	[smem:$0x3FB5] =	sst s7  }
0x10: {  	[smem:$0x3FB6] =	sst s8  }
0x11: {  	[smem:$0x3FB7] =	sst s9;
	s0 =	simm.s32 @!p0 $0x0  }
0x12: {  	s1 =	sld [smem:$0x3F9D];
	s0 =	simm.s32 @p0 $0x1  }
0x13: {  	[smem:$0x3FB8] =	sst s0;
	s0 =	simm.s32 @!p1 $0x0  }
0x14: {  	s2 =	sld [smem:$0x3F9C];
	s0 =	simm.s32 @p1 $0x1  }
0x15: {  	[smem:$0x3FB9] =	sst s0;
	s0 =	simm.s32 @!p2 $0x0  }
0x16: {  	s3 =	sld [smem:$0x3FDB];
	s0 =	simm.s32 @p2 $0x1  }
0x17: {  	s4 =	simm.s32 $0x1BF5;
	[smem:$0x3FBB] =	sst s0  }
0x18: {  	s0 =	sld [smem:$0x3F9E];
	_ =	swait.ge [sflag:s4], $0x0  }
0x19: {  	s7 =	sld [smem:$0x3F9F]  }
0x1a: {  	s8 =	sadd.s32 $0xFFFFE003, lr  }
0x1b: {  	s9 =	sadd.s32 $0xFFFFFEF7, lr;
	s5 =	simm.s32 $0xFFFFFFFF;
	p2 =	slt.u32 s8, $0xFFFFF086  }
0x1c: {  	p1 =	slt.u32 s9, $0xF7A;
	s5 =	simm.s32 @!p2 $0x0  }
0x1d: {  	s5 =	simm.s32 @p1 $0x1;
	p0 =	seq.s32 s7, s2  }
0x1e: {  	s7 =	smul.u32 @!p0 $0xF7A, s2;
	p2 =	seq.s32 @!p0 s5, $0x0  }
0x1f: {  	s9 =	smul.u32 $0xF7A, s1;
	s8 =	simm.s32 @!p0 $0x1BF5;
	p2 =	por !p2, p0  }
0x20: {  	[sflag:s8] =	ssyncset.s32 @!p0 $0xFFFFF086;
	s6 =	sadd.s32 @!p0 s3, s7;
	s7 =	simm.s32 @!p0 $0x108  }
0x21: {  	s3 =	sadd.s32 s3, s9;
	s6 =	sadd.s32 @!p0 $0x88, s6;
	s7 =	simm.s32 @p2 $0x1082  }
0x22: {  	[simem:s7], [sflag:s8] =	dma.local @!p0 [hbm:s6], $0xF7A  }
0x23: {  	s9 =	sor.u32 $0xD0000000, s2;
	s6 =	simm.s32 $0x108;
	_ =	swait.ge @!p0 [sflag:s8], $0x0  }
0x24: {  	s3 =	sadd.s32 $0x88, s3;
	s6 =	simm.s32 @!p1 $0x1082;
	[sflag:s4] =	ssyncset.s32 $0xFFFFF086  }
0x25: {  	[simem:s6], [sflag:s4] =	dma.local [hbm:s3], $0xF7A  }
0x26: {  	[smem:$0x3F9F] =	sst s1;
	(tag) =	ssettag s2;
	_ =	strace s9  }
0x27: {  	s1 =	sld [smem:$0x3FAF]  }
0x28: {  	s2 =	sld [smem:$0x3FB0]  }
0x29: {  	s4 =	sld [smem:$0x3FB2]  }
0x2a: {  	p0 =	seq.s32 s5, $0x0;
	s5 =	sld [smem:$0x3FB3]  }
0x2b: {  	s6 =	sld [smem:$0x3FB4]  }
0x2c: {  	s7 =	sld [smem:$0x3FB5]  }
0x2d: {  	s3 =	simm.s32 $0x108;
	s8 =	sld [smem:$0x3FB6]  }
0x2e: {  	s3 =	simm.s32 @!p0 $0x1082;
	s9 =	sld [smem:$0x3FB7]  }
0x2f: {  	lr =	sadd.s32 s0, s3;
	s0 =	sld [smem:$0x3FAE]  }
0x30: {  	s3 =	sld [smem:$0x3FB1]  }
0x31: {  	[smem:$0x3FBA] =	sst s10  }
0x32: {  	s10 =	sld [smem:$0x3FB8];
	_ =	sdelay $0x3  }
0x33: {  	p0 =	seq.s32 s10, $0x1;
	s10 =	sld [smem:$0x3FBA];
	_ =	sdelay $0x3  }
0x34: {  	[smem:$0x3FBA] =	sst s10  }
0x35: {  	s10 =	sld [smem:$0x3FB9];
	_ =	sdelay $0x3  }
0x36: {  	p1 =	seq.s32 s10, $0x1;
	s10 =	sld [smem:$0x3FBA];
	_ =	sdelay $0x3  }
0x37: {  	[smem:$0x3FBA] =	sst s10  }
0x38: {  	s10 =	sld [smem:$0x3FBB]  }
0x39: {  	_ = 	snop;
	(pc) =	sbr.ind lr, $3  }
0x3a: {  	_ = 	snop  }
0x3b: {  	_ = 	snop  }
0x3c: {  	p2 =	seq.s32 s10, $0x1;
	s10 =	sld [smem:$0x3FBA]  }
0x3d: {  	_ =	shalt  }
0x3e: {  	_ =	shalt  }
0x3f: {  	_ =	shalt  }
0x40: {  	_ =	shalt  }
0x41: {  	_ =	shalt  }
0x42: {  	_ =	shalt  }
0x43: {  	_ =	shalt  }
0x44: {  	_ =	shalt  }
0x45: {  	_ =	shalt  }
0x46: {  	_ =	shalt  }
0x47: {  	_ =	shalt  }
0x48: {  	_ =	shalt  }
0x49: {  	_ =	shalt  }
0x4a: {  	_ =	shalt  }
0x4b: {  	_ =	shalt  }
0x4c: {  	_ =	shalt  }
0x4d: {  	_ =	shalt  }
0x4e: {  	_ =	shalt  }
0x4f: {  	_ =	shalt  }
0x50: {  	_ =	shalt  }
0x51: {  	_ =	shalt  }
0x52: {  	_ =	shalt  }
0x53: {  	_ =	shalt  }
0x54: {  	_ =	shalt  }
0x55: {  	_ =	shalt  }
0x56: {  	_ =	shalt  }
0x57: {  	_ =	shalt  }
0x58: {  	_ =	shalt  }
0x59: {  	_ =	shalt  }
0x5a: {  	_ =	shalt  }
0x5b: {  	_ =	shalt  }
0x5c: {  	_ =	shalt  }
0x5d: {  	_ =	shalt  }
0x5e: {  	_ =	shalt  }
0x5f: {  	_ =	shalt  }
0x60: {  	_ =	shalt  }
0x61: {  	_ =	shalt  }
0x62: {  	_ =	shalt  }
0x63: {  	_ =	shalt  }
0x64: {  	_ =	shalt  }
0x65: {  	_ =	shalt  }
0x66: {  	_ =	shalt  }
0x67: {  	_ =	shalt  }
0x68: {  	_ =	shalt  }
0x69: {  	_ =	shalt  }
0x6a: {  	_ =	shalt  }
0x6b: {  	_ =	shalt  }
0x6c: {  	_ =	shalt  }
0x6d: {  	_ =	shalt  }
0x6e: {  	_ =	shalt  }
0x6f: {  	_ =	shalt  }
0x70: {  	_ =	shalt  }
0x71: {  	_ =	shalt  }
0x72: {  	_ =	shalt  }
0x73: {  	_ =	shalt  }
0x74: {  	_ =	shalt  }
0x75: {  	_ =	shalt  }
0x76: {  	_ =	shalt  }
0x77: {  	_ =	shalt  }
0x78: {  	_ =	shalt  }
0x79: {  	_ =	shalt  }
0x7a: {  	_ =	shalt  }
0x7b: {  	_ =	shalt  }
0x7c: {  	_ =	shalt  }
0x7d: {  	_ =	shalt  }
0x7e: {  	_ =	shalt  }
0x7f: {  	_ =	shalt  }
0x80: {  	_ =	shalt  }
0x81: {  	_ =	shalt  }
0x82: {  	_ =	shalt  }
0x83: {  	_ =	shalt  }
0x84: {  	_ =	shalt  }
0x85: {  	_ =	shalt  }
0x86: {  	_ =	shalt  }
0x87: {  	_ =	shalt  }
.Lfunc_end0:
.L_simem_size_0:
called_computation_lowered:
.L_overlay_start_0:
0x88: {  	s2 =	sld [smem:$0x3FD9]  }
0x89: {  	s3 =	sld [smem:$0x3FFE];
	_ =	sdelay $0x1  }
0x8a: {  	s1 =	srdreg.scid  }
0x8b: {  	s0 =	sand.u32 $0x1, s1  }
0x8c: {  	s17 =	sshll.u32 s0, $0xA;
	s2 =	sadd.s32 s3, s2  }
0x8d: {  	s2 =	sadd.s32 s2, s17  }
0x8e: {  	[smem:$0x3FC6] =	sst s2  }
0x8f: {  	_ = 	snop  }
0x90: {  	s2 =	sld [smem:$0x3FD0];
	(tm) =	ssettm $0x1  }
0x91: {  	s18 =	sld [smem:$0x3FFB];
	_ =	sdelay $0x3  }
0x92: {  	_ =	strace s18  }
0x93: {  	s3 =	sld [smem:$0x3FFC];
	_ =	sdelay $0x3  }
0x94: {  	_ =	strace s3  }
0x95: {  	s3 =	sld [smem:$0x3FFD];
	_ =	sdelay $0x3  }
0x96: {  	_ =	strace s3  }
0x97: {  	_ =	strace $0x8FFFFFFF  }
0x98: {  	s19 =	sld [smem:$0x3FDB];
	_ =	sdelay $0x1  }
0x99: {  	s4 =	simm.s32 $_scs_section_size  }
0x9a: {  	s5 =	simm.s32 $_size__tile_overlayer_lowered;
	s6 =	simm.s32 $_tile_overlayer_lowered  }
0x9b: {  	s22 =	simm.s32 $0x1BFF;
	s21 =	sshll.u32 s6, $0x1;
	s3 =	sadd.s32 s4, s19  }
0x9c: {  	s7 =	simm.s32 $0x0;
	s20 =	sshll.u32 s5, $0x1;
	s5 =	sadd.s32 s21, s3  }
0x9d: {  	[timem:s7], [sflag:s22] =	dma.local [hbm:s5], s20  }
0x9e: {  	_ =	swait.ge [sflag:s22], s20  }
0x9f: {  	s4 =	ssub.s32 $0x0, s20;
	[sflag:s22] =	ssyncset.done $0x0  }
0xa0: {  	[sflag:s22] =	ssyncadd.s32 s4;
	_ =	sdelay $0x1  }
0xa1: {  	s23 =	simm.s32 $0x1B8B  }
0xa2: {  	_ =	swait.ge [sflag:s23], $0x1  }
0xa3: {  	[sflag:s23] =	ssyncset.done $0x0  }
0xa4: {  	s25 =	simm.s32 $0x1B8E;
	s24 =	sld [smem:$0x3FFE];
	[sflag:s23] =	ssyncadd.s32 $0xFFFFFFFF  }
0xa5: {  	s26 =	simm.s32 $execute0_lowered;
	[smem:$0x3FD2] =	sst s25  }
0xa6: {  	s5 =	sshll.u32 s26, $0x1;
	_ =	strace $0x80000046;
	[dreg:$0x1] =	wrdreg $0xFFFFFFFF  }
0xa7: {  	s28 =	simm.s32 $_size_execute0_lowered;
	s3 =	sadd.s32 s3, s5;
	[dreg:$0x0] =	wrdreg $0x0  }
0xa8: {  	s5 =	sshll.u32 s28, $0x1;
	[dreg:$0x2] =	wrdreg s3  }
0xa9: {  	[dreg:$0x3] =	wrdreg s5  }
0xaa: {  	[dreg:$0x4] =	wrdreg $0xC0  }
0xab: {  	_ =	task [dreg:s7], $0x5FFFF  }
0xac: {  	[dreg:$0x1] =	wrdreg $0xFFFFFFFF  }
0xad: {  	[dreg:$0x0] =	wrdreg $0x60  }
0xae: {  	[dreg:$0x2] =	wrdreg s24  }
0xaf: {  	[dreg:$0x3] =	wrdreg s2  }
0xb0: {  	[dreg:$0x4] =	wrdreg $0xCD000  }
0xb1: {  	[dreg:$0x5] =	wrdreg $0x9  }
0xb2: {  	_ =	task.clear_ibuf [dreg:s7], $0x6FFFF;
	_ =	strace $0x90000046  }
0xb3: {  	s29 =	simm.s32 $0x9;
	_ =	strace $0x80000048  }
0xb4: {  	_ =	swait.ge [sflag:s29], $0x1  }
0xb5: {  	[sflag:s29] =	ssyncadd.s32 $0xFFFFFFFF  }
0xb6: {  	_ =	strace $0x90000048  }
0xb7: {  	_ =	sfence  }
0xb8: {  	s30 =	sld [smem:$0x0];
	_ =	sdelay $0x2  }
0xb9: {  	s31 =	sshll.u32 s1, $0xD;
	s1 =	sshrl.u32 s1, $0x2  }
0xba: {  	s3 =	sand.u32 $0x4000, s31;
	s1 =	sadd.s32 s1, s30  }
0xbb: {  	s0 =	sor.u32 s3, s0;
	s1 =	sshll.u32 s1, $0x11  }
0xbc: {  	s0 =	sor.u32 s1, s0  }
0xbd: {  	s0 =	sadd.s32 $0x8F2B, s0  }
0xbe: {  	[sflag:s0] =	ssyncadd.remote.s32 $0x1  }
0xbf: {  	_ =	sfence.sel $0xFFFF  }
0xc0: {  	[dreg:$0x0] =	wrdreg $0xFFFFFFFF;
	(pc) =	sbr.abs _section_cstart, $3  }
0xc1: {  	[dreg:$0x1] =	wrdreg $0xFFFFFFFF  }
0xc2: {  	_ =	task.clear_ibuf [dreg:s7], $0x2FFFF;
	_ =	strace $0x9FFFFFFF  }
0xc3: {  	(tm) =	ssettm $0x7FFFFFFF  }
tec
execute0_lowered:
.L_overlay_start_1:
0x0: {  	(tag) =	ssettag $0x1  }
0x1: {  	s4 =	rddreg [dreg:$0x0]  }
0x2: {  	s6 =	rddreg [dreg:$0x1]  }
0x3: {  	s2 =	rddreg [dreg:$0x2];
	s5 =	srdreg.scid  }
0x4: {  	s3 =	simm.s32 $0x0;
	s1 =	stileid.u32;
	s7 =	sand.u32 $0x1, s5  }
0x5: {  	[smem:$0x7FF] =	sst s3;
	s8 =	smul.u32 $0x520, s1;
	s17 =	sadd.s32 $0xF600, s4  }
0x6: {  	s30 =	sshll.u32 s1, $0x10;
	s10 =	sshll.u32 s1, $0xD;
	s5 =	ssub.s32 $0x2, s7  }
0x7: {  	_ =	strace $0x80000047;
	s19 =	sshll.u32 s7, $0x3;
	s31 =	sshll.u32 s7, $0x17  }
0x8: {  	s26 =	sshllo.u32 s7, $0x3;
	s9 =	sshrl.u32 s5, $0x1;
	s4 =	sadd.s32 s4, s8  }
0x9: {  	s20 =	sor.u32 $0x1, s19;
	s21 =	sor.u32 $0x2, s19;
	s22 =	sor.u32 $0x3, s19  }
0xa: {  	s23 =	sor.u32 $0x4, s19;
	s24 =	sor.u32 $0x5, s19;
	s25 =	sor.u32 $0x6, s19  }
0xb: {  	s7 =	sshll.u32 s26, $0x14;
	v0 =	vmov s19;
	s19 =	simm.s32 $0x2;
	s18 =	ssub.s32 s5, s9  }
0xc: {  	s5 =	sadd.s32 s6, s8;
	s9 =	sor.u32 s30, s31;
	s6 =	sadd.s32 s6, s10  }
0xd: {  	s0 =	sshll.u32 s20, $0x14;
	s11 =	sshll.u32 s21, $0x14;
	s12 =	sshll.u32 s22, $0x14  }
0xe: {  	s13 =	sshll.u32 s23, $0x14;
	s14 =	sshll.u32 s24, $0x14;
	s15 =	sshll.u32 s25, $0x14  }
0xf: {  	s16 =	sor.u32 s30, s7;
	s7 =	sadd.s32 s30, s2;
	v1 =	vmov s20;
	s20 =	simm.s32 $0x2900  }
0x10: {  	v2 =	vmov s21;
	v3 =	vmov s22;
	v4 =	vmov s23;
	s21 =	simm.s32 $0x5200;
	s22 =	simm.s32 $0xA400;
	s23 =	simm.s32 $0x7B00  }
0x11: {  	v5 =	vmov s24;
	v6 =	vmov s25;
	s24 =	simm.s32 $0x1;
	s25 =	simm.s32 $0x0;
	s9 =	sshrl.u32 s9, $0x3  }
0x12: {  	s10 =	sor.u32 s30, s0;
	s11 =	sor.u32 s30, s11;
	s12 =	sor.u32 s30, s12  }
0x13: {  	s13 =	sor.u32 s30, s13;
	s14 =	sor.u32 s30, s14;
	s15 =	sor.u32 s30, s15  }
0x14: {  	s18 =	smax.u32 s18, $0x1;
	s8 =	sadd.s32 s17, s9;
	s10 =	sshrl.u32 s10, $0x3  }
0x15: {  	s11 =	sshrl.u32 s11, $0x3;
	s28 =	sshrl.u32 s12, $0x3;
	s29 =	sshrl.u32 s13, $0x3  }
0x16: {  	s30 =	sshrl.u32 s14, $0x3;
	s31 =	sshrl.u32 s15, $0x3;
	s15 =	sadd.s32 $0x5200, s4  }
0x17: {  	s9 =	sadd.s32 s17, s10;
	s10 =	sadd.s32 s17, s11;
	s11 =	sadd.s32 s17, s28  }
0x18: {  	s12 =	sadd.s32 s17, s29;
	s13 =	sadd.s32 s17, s30;
	s28 =	sshrl.u32 s16, $0x3  }
0x19: {  	v7 =	vmov s26;
	s14 =	sadd.s32 s17, s31;
	s16 =	sadd.s32 $0xA400, s4;
	s17 =	sadd.s32 s17, s28  }
.LBB2_1:
0x1a: {  	[tilespmem:s3], [sflag:$0x2] =	stream.linear.gather [hbm4b:s15+s3], $0x2900, $0x38;
	[tilespmem:$0x1CD00] =	vst v63  }
0x1b: {  	_ =	swait.ge [sflag:s19], $0x2900  }
0x1c: {  	[sflag:s19] =	ssyncset.done $0x0  }
0x1d: {  	[sflag:s19] =	ssyncadd.s32 $0xFFFFD700  }
0x1e: {  	[tilespmem:s20], [sflag:$0x2] =	stream.linear.gather [hbm4b:s4+s3], $0x2900, $0x38;
	[tilespmem:$0x1CD00] =	vst v63  }
0x1f: {  	_ =	swait.ge [sflag:s19], $0x2900  }
0x20: {  	[sflag:s19] =	ssyncset.done $0x0  }
0x21: {  	[sflag:s19] =	ssyncadd.s32 $0xFFFFD700  }
0x22: {  	[tilespmem:s21], [sflag:$0x2] =	stream.linear.gather [hbm4b:s16+s3], $0x2900, $0x38;
	[tilespmem:$0x1CD00] =	vst v63  }
0x23: {  	_ =	swait.ge [sflag:s19], $0x2900  }
0x24: {  	[sflag:s19] =	ssyncset.done $0x0  }
0x25: {  	[sflag:s19] =	ssyncadd.s32 $0xFFFFD700  }
0x26: {  	[tilespmem:s22], [sflag:$0x2] =	stream.linear.gather [hbm4b:s5+s3], $0x2900, $0x38;
	[tilespmem:$0x1CD00] =	vst v63  }
0x27: {  	_ =	swait.ge [sflag:s19], $0x2900  }
0x28: {  	s28 =	sshll.u32 s1, $0x6;
	[sflag:s19] =	ssyncset.done $0x0  }
0x29: {  	s26 =	sshrl.u32 s7, $0x3;
	s29 =	sor.u32 $0x1C02, s28;
	[sflag:s19] =	ssyncadd.s32 $0xFFFFD700  }
0x2a: {  	[spmem:s26], [sflag:s29] =	dma.local [hbm:s6], $0x2000  }
0x2b: {  	_ =	swait.ge [sflag:s19], $0x2000  }
0x2c: {  	[sflag:s19] =	ssyncset.done $0x0  }
0x2d: {  	s29 =	simm.s32 $0x0;
	[sflag:s19] =	ssyncadd.s32 $0xFFFFE000  }
0x2e: {  	v8 =	vld [tilespmem:s29+$0x0];
	_ =	sdelay $0x1  }
0x2f: {  	v9 =	vld [tilespmem:s29+$0x2900];
	_ =	sdelay $0x2  }
0x30: {  	v10 =	vshll.u32 v8, $0xC;
	v8 =	vshra.s32 v8, $0x8  }
0x31: {  	s30 =	simm.s32 $0x10;
	v10 =	vand.u32 $0xFF000, v10;
	[tilespmem:s29+$0x0] =	vst v8  }
0x32: {  	s31 =	simm.s32 $0x80;
	v8 =	vld [tilespmem:s30+$0x0];
	v9 =	vor.u32 v9, v10  }
.LBB2_2:
0x33: {  	p0 =	sne.s32 s31, $0xA3C0;
	[tilespmem:s29+$0x2900] =	vst v9;
	s0 =	smov.u32 s31;
	s31 =	sadd.s32 $0x40, s31  }
0x34: {  	s29 =	smov.u32 s30;
	v9 =	vld [tilespmem:s30+$0x2900]  }
.Ltmp0:
0x35: {  	(pc) =	sbr.rel @p0 .LBB2_2-.Ltmp0, $4  }
0x36: {  	_ = 	snop  }
0x37: {  	v10 =	vshll.u32 v8, $0xC;
	v8 =	vshra.s32 v8, $0x8  }
0x38: {  	s30 =	sshra.s32 s0, $0x2;
	v10 =	vand.u32 $0xFF000, v10;
	[tilespmem:s29+$0x0] =	vst v8  }
0x39: {  	v8 =	vld [tilespmem:s30+$0x0];
	v9 =	vor.u32 v9, v10  }
0x3a: {  	[tilespmem:s29+$0x2900] =	vst v9  }
0x3b: {  	v9 =	vld [tilespmem:s30+$0x2900];
	_ =	sdelay $0x2  }
0x3c: {  	v10 =	vshll.u32 v8, $0xC  }
0x3d: {  	v8 =	vshra.s32 v8, $0x8;
	v10 =	vand.u32 $0xFF000, v10  }
0x3e: {  	[tilespmem:s30+$0x0] =	vst v8;
	v8 =	vor.u32 v9, v10  }
0x3f: {  	[tilespmem:s30+$0x2900] =	vst v8  }
0x40: {  	s29 =	simm.s32 $0x0;
	[bflag:$0x0] =	sbarrier.arrive $0xFFFF  }
0x41: {  	v8 =	vld [tilespmem:s29+$0x0]  }
0x42: {  	s30 =	simm.s32 $0x40;
	v9 =	vld [tilespmem:s29+$0x5200]  }
.LBB2_4:
0x43: {  	p0 =	sne.s32 s30, $0xA3C0  }
.Ltmp1:
0x44: {  	_ = 	snop;
	(pc) =	sbr.rel @p0 .LBB2_4-.Ltmp1, $4  }
0x45: {  	_ = 	snop  }
0x46: {  	s0 =	sshra.s32 s30, $0x2;
	s30 =	sadd.s32 $0x40, s30;
	vm0 =	veq.s32 v8, v0  }
0x47: {  	v8 =	vld [tilespmem:s0+$0x0];
	v10 =	vnsel vm0, $0x0, v9  }
0x48: {  	v9 =	vld [tilespmem:s0+$0x5200];
	[tilespmem:s29+$0x7B00] =	vst v10;
	s29 =	smov.u32 s0  }
0x49: {  	_ =	sdelay $0x2  }
0x4a: {  	vm0 =	veq.s32 v8, v0  }
0x4b: {  	v8 =	vnsel vm0, $0x0, v9  }
0x4c: {  	[tilespmem:s29+$0x7B00] =	vst v8  }
0x4d: {  	[spmem:s2] =	stream.indirect.scatter.add.f32 [tilespmem:s23], [sflag:$0x2], $0x1, s20, s20, $0xb8;
	[tilespmem:$0x1CD00] =	vst v63  }
0x4e: {  	_ =	swait.ge [sflag:s19], $0x2900  }
0x4f: {  	[sflag:s19] =	ssyncset.done $0x0  }
0x50: {  	[sflag:s19] =	ssyncadd.s32 $0xFFFFD700  }
0x51: {  	s28 =	sor.u32 $0x1C01, s28;
	s29 =	simm.s32 $0x0;
	[bflag:$0x0] =	sbarrier.arrive $0xFFFF  }
0x52: {  	[hbm:s8], [sflag:s28] =	dma.local [spmem:s26], $0x2000  }
0x53: {  	v8 =	vld [tilespmem:s29+$0x0]  }
0x54: {  	s30 =	simm.s32 $0x40;
	v9 =	vld [tilespmem:s29+$0x5200]  }
.LBB2_6:
0x55: {  	p0 =	sne.s32 s30, $0xA3C0  }
.Ltmp2:
0x56: {  	_ = 	snop;
	(pc) =	sbr.rel @p0 .LBB2_6-.Ltmp2, $4  }
0x57: {  	_ = 	snop  }
0x58: {  	s0 =	sshra.s32 s30, $0x2;
	s30 =	sadd.s32 $0x40, s30;
	vm0 =	veq.s32 v8, v1  }
0x59: {  	v8 =	vld [tilespmem:s0+$0x0];
	v10 =	vnsel vm0, $0x0, v9  }
0x5a: {  	v9 =	vld [tilespmem:s0+$0x5200];
	[tilespmem:s29+$0x7B00] =	vst v10;
	s29 =	smov.u32 s0  }
0x5b: {  	_ =	sdelay $0x2  }
0x5c: {  	vm0 =	veq.s32 v8, v1  }
0x5d: {  	v8 =	vnsel vm0, $0x0, v9  }
0x5e: {  	[tilespmem:s29+$0x7B00] =	vst v8  }
0x5f: {  	_ =	swait.ge [sflag:s24], $0x2000  }
0x60: {  	[sflag:s24] =	ssyncset.done $0x0  }
0x61: {  	[sflag:s24] =	ssyncadd.s32 $0xFFFFE000  }
0x62: {  	[bflag:$0x0] =	sbarrier.arrive $0xFFFF  }
0x63: {  	[spmem:s2] =	stream.indirect.scatter [tilespmem:s22], [sflag:$0x2], $0x1, s20, s20, $0xb8;
	[tilespmem:$0x1CD00] =	vst v63  }
0x64: {  	_ =	swait.ge [sflag:s19], $0x2900  }
0x65: {  	[sflag:s19] =	ssyncset.done $0x0  }
0x66: {  	[sflag:s19] =	ssyncadd.s32 $0xFFFFD700  }
0x67: {  	[bflag:$0x0] =	sbarrier.arrive $0xFFFF  }
0x68: {  	[spmem:s2] =	stream.indirect.scatter.add.f32 [tilespmem:s23], [sflag:$0x2], $0x1, s20, s20, $0xb8;
	[tilespmem:$0x1CD00] =	vst v63  }
0x69: {  	_ =	swait.ge [sflag:s19], $0x2900  }
0x6a: {  	[sflag:s19] =	ssyncset.done $0x0  }
0x6b: {  	[sflag:s19] =	ssyncadd.s32 $0xFFFFD700  }
0x6c: {  	s29 =	simm.s32 $0x0;
	[bflag:$0x0] =	sbarrier.arrive $0xFFFF  }
0x6d: {  	[hbm:s9], [sflag:s28] =	dma.local [spmem:s26], $0x2000  }
0x6e: {  	v8 =	vld [tilespmem:s29+$0x0]  }
0x6f: {  	s30 =	simm.s32 $0x40;
	v9 =	vld [tilespmem:s29+$0x5200]  }
.LBB2_8:
0x70: {  	p0 =	sne.s32 s30, $0xA3C0  }
.Ltmp3:
0x71: {  	_ = 	snop;
	(pc) =	sbr.rel @p0 .LBB2_8-.Ltmp3, $4  }
0x72: {  	_ = 	snop  }
0x73: {  	s0 =	sshra.s32 s30, $0x2;
	s30 =	sadd.s32 $0x40, s30;
	vm0 =	veq.s32 v8, v2  }
0x74: {  	v8 =	vld [tilespmem:s0+$0x0];
	v10 =	vnsel vm0, $0x0, v9  }
0x75: {  	v9 =	vld [tilespmem:s0+$0x5200];
	[tilespmem:s29+$0x7B00] =	vst v10;
	s29 =	smov.u32 s0  }
0x76: {  	_ =	sdelay $0x2  }
0x77: {  	vm0 =	veq.s32 v8, v2  }
0x78: {  	v8 =	vnsel vm0, $0x0, v9  }
0x79: {  	[tilespmem:s29+$0x7B00] =	vst v8  }
0x7a: {  	_ =	swait.ge [sflag:s24], $0x2000  }
0x7b: {  	[sflag:s24] =	ssyncset.done $0x0  }
0x7c: {  	[sflag:s24] =	ssyncadd.s32 $0xFFFFE000  }
0x7d: {  	[bflag:$0x0] =	sbarrier.arrive $0xFFFF  }
0x7e: {  	[spmem:s2] =	stream.indirect.scatter [tilespmem:s22], [sflag:$0x2], $0x1, s20, s20, $0xb8;
	[tilespmem:$0x1CD00] =	vst v63  }
0x7f: {  	_ =	swait.ge [sflag:s19], $0x2900  }
0x80: {  	[sflag:s19] =	ssyncset.done $0x0  }
0x81: {  	[sflag:s19] =	ssyncadd.s32 $0xFFFFD700  }
0x82: {  	[bflag:$0x0] =	sbarrier.arrive $0xFFFF  }
0x83: {  	[spmem:s2] =	stream.indirect.scatter.add.f32 [tilespmem:s23], [sflag:$0x2], $0x1, s20, s20, $0xb8;
	[tilespmem:$0x1CD00] =	vst v63  }
0x84: {  	_ =	swait.ge [sflag:s19], $0x2900  }
0x85: {  	[sflag:s19] =	ssyncset.done $0x0  }
0x86: {  	[sflag:s19] =	ssyncadd.s32 $0xFFFFD700  }
0x87: {  	s29 =	simm.s32 $0x0;
	[bflag:$0x0] =	sbarrier.arrive $0xFFFF  }
0x88: {  	[hbm:s10], [sflag:s28] =	dma.local [spmem:s26], $0x2000  }
0x89: {  	v8 =	vld [tilespmem:s29+$0x0]  }
0x8a: {  	s30 =	simm.s32 $0x40;
	v9 =	vld [tilespmem:s29+$0x5200]  }
.LBB2_10:
0x8b: {  	p0 =	sne.s32 s30, $0xA3C0  }
.Ltmp4:
0x8c: {  	_ = 	snop;
	(pc) =	sbr.rel @p0 .LBB2_10-.Ltmp4, $4  }
0x8d: {  	_ = 	snop  }
0x8e: {  	s0 =	sshra.s32 s30, $0x2;
	s30 =	sadd.s32 $0x40, s30;
	vm0 =	veq.s32 v8, v3  }
0x8f: {  	v8 =	vld [tilespmem:s0+$0x0];
	v10 =	vnsel vm0, $0x0, v9  }
0x90: {  	v9 =	vld [tilespmem:s0+$0x5200];
	[tilespmem:s29+$0x7B00] =	vst v10;
	s29 =	smov.u32 s0  }
0x91: {  	_ =	sdelay $0x2  }
0x92: {  	vm0 =	veq.s32 v8, v3  }
0x93: {  	v8 =	vnsel vm0, $0x0, v9  }
0x94: {  	[tilespmem:s29+$0x7B00] =	vst v8  }
0x95: {  	_ =	swait.ge [sflag:s24], $0x2000  }
0x96: {  	[sflag:s24] =	ssyncset.done $0x0  }
0x97: {  	[sflag:s24] =	ssyncadd.s32 $0xFFFFE000  }
0x98: {  	[bflag:$0x0] =	sbarrier.arrive $0xFFFF  }
0x99: {  	[spmem:s2] =	stream.indirect.scatter [tilespmem:s22], [sflag:$0x2], $0x1, s20, s20, $0xb8;
	[tilespmem:$0x1CD00] =	vst v63  }
0x9a: {  	_ =	swait.ge [sflag:s19], $0x2900  }
0x9b: {  	[sflag:s19] =	ssyncset.done $0x0  }
0x9c: {  	[sflag:s19] =	ssyncadd.s32 $0xFFFFD700  }
0x9d: {  	[bflag:$0x0] =	sbarrier.arrive $0xFFFF  }
0x9e: {  	[spmem:s2] =	stream.indirect.scatter.add.f32 [tilespmem:s23], [sflag:$0x2], $0x1, s20, s20, $0xb8;
	[tilespmem:$0x1CD00] =	vst v63  }
0x9f: {  	_ =	swait.ge [sflag:s19], $0x2900  }
0xa0: {  	[sflag:s19] =	ssyncset.done $0x0  }
0xa1: {  	[sflag:s19] =	ssyncadd.s32 $0xFFFFD700  }
0xa2: {  	s29 =	simm.s32 $0x0;
	[bflag:$0x0] =	sbarrier.arrive $0xFFFF  }
0xa3: {  	[hbm:s11], [sflag:s28] =	dma.local [spmem:s26], $0x2000  }
0xa4: {  	v8 =	vld [tilespmem:s29+$0x0]  }
0xa5: {  	s30 =	simm.s32 $0x40;
	v9 =	vld [tilespmem:s29+$0x5200]  }
.LBB2_12:
0xa6: {  	p0 =	sne.s32 s30, $0xA3C0  }
.Ltmp5:
0xa7: {  	_ = 	snop;
	(pc) =	sbr.rel @p0 .LBB2_12-.Ltmp5, $4  }
0xa8: {  	_ = 	snop  }
0xa9: {  	s0 =	sshra.s32 s30, $0x2;
	s30 =	sadd.s32 $0x40, s30;
	vm0 =	veq.s32 v8, v4  }
0xaa: {  	v8 =	vld [tilespmem:s0+$0x0];
	v10 =	vnsel vm0, $0x0, v9  }
0xab: {  	v9 =	vld [tilespmem:s0+$0x5200];
	[tilespmem:s29+$0x7B00] =	vst v10;
	s29 =	smov.u32 s0  }
0xac: {  	_ =	sdelay $0x2  }
0xad: {  	vm0 =	veq.s32 v8, v4  }
0xae: {  	v8 =	vnsel vm0, $0x0, v9  }
0xaf: {  	[tilespmem:s29+$0x7B00] =	vst v8  }
0xb0: {  	_ =	swait.ge [sflag:s24], $0x2000  }
0xb1: {  	[sflag:s24] =	ssyncset.done $0x0  }
0xb2: {  	[sflag:s24] =	ssyncadd.s32 $0xFFFFE000  }
0xb3: {  	[bflag:$0x0] =	sbarrier.arrive $0xFFFF  }
0xb4: {  	[spmem:s2] =	stream.indirect.scatter [tilespmem:s22], [sflag:$0x2], $0x1, s20, s20, $0xb8;
	[tilespmem:$0x1CD00] =	vst v63  }
0xb5: {  	_ =	swait.ge [sflag:s19], $0x2900  }
0xb6: {  	[sflag:s19] =	ssyncset.done $0x0  }
0xb7: {  	[sflag:s19] =	ssyncadd.s32 $0xFFFFD700  }
0xb8: {  	[bflag:$0x0] =	sbarrier.arrive $0xFFFF  }
0xb9: {  	[spmem:s2] =	stream.indirect.scatter.add.f32 [tilespmem:s23], [sflag:$0x2], $0x1, s20, s20, $0xb8;
	[tilespmem:$0x1CD00] =	vst v63  }
0xba: {  	_ =	swait.ge [sflag:s19], $0x2900  }
0xbb: {  	[sflag:s19] =	ssyncset.done $0x0  }
0xbc: {  	[sflag:s19] =	ssyncadd.s32 $0xFFFFD700  }
0xbd: {  	s29 =	simm.s32 $0x0;
	[bflag:$0x0] =	sbarrier.arrive $0xFFFF  }
0xbe: {  	[hbm:s12], [sflag:s28] =	dma.local [spmem:s26], $0x2000  }
0xbf: {  	v8 =	vld [tilespmem:s29+$0x0]  }
0xc0: {  	s30 =	simm.s32 $0x40;
	v9 =	vld [tilespmem:s29+$0x5200]  }
.LBB2_14:
0xc1: {  	p0 =	sne.s32 s30, $0xA3C0  }
.Ltmp6:
0xc2: {  	_ = 	snop;
	(pc) =	sbr.rel @p0 .LBB2_14-.Ltmp6, $4  }
0xc3: {  	_ = 	snop  }
0xc4: {  	s0 =	sshra.s32 s30, $0x2;
	s30 =	sadd.s32 $0x40, s30;
	vm0 =	veq.s32 v8, v5  }
0xc5: {  	v8 =	vld [tilespmem:s0+$0x0];
	v10 =	vnsel vm0, $0x0, v9  }
0xc6: {  	v9 =	vld [tilespmem:s0+$0x5200];
	[tilespmem:s29+$0x7B00] =	vst v10;
	s29 =	smov.u32 s0  }
0xc7: {  	_ =	sdelay $0x2  }
0xc8: {  	vm0 =	veq.s32 v8, v5  }
0xc9: {  	v8 =	vnsel vm0, $0x0, v9  }
0xca: {  	[tilespmem:s29+$0x7B00] =	vst v8  }
0xcb: {  	_ =	swait.ge [sflag:s24], $0x2000  }
0xcc: {  	[sflag:s24] =	ssyncset.done $0x0  }
0xcd: {  	[sflag:s24] =	ssyncadd.s32 $0xFFFFE000  }
0xce: {  	[bflag:$0x0] =	sbarrier.arrive $0xFFFF  }
0xcf: {  	[spmem:s2] =	stream.indirect.scatter [tilespmem:s22], [sflag:$0x2], $0x1, s20, s20, $0xb8;
	[tilespmem:$0x1CD00] =	vst v63  }
0xd0: {  	_ =	swait.ge [sflag:s19], $0x2900  }
0xd1: {  	[sflag:s19] =	ssyncset.done $0x0  }
0xd2: {  	[sflag:s19] =	ssyncadd.s32 $0xFFFFD700  }
0xd3: {  	[bflag:$0x0] =	sbarrier.arrive $0xFFFF  }
0xd4: {  	[spmem:s2] =	stream.indirect.scatter.add.f32 [tilespmem:s23], [sflag:$0x2], $0x1, s20, s20, $0xb8;
	[tilespmem:$0x1CD00] =	vst v63  }
0xd5: {  	_ =	swait.ge [sflag:s19], $0x2900  }
0xd6: {  	[sflag:s19] =	ssyncset.done $0x0  }
0xd7: {  	[sflag:s19] =	ssyncadd.s32 $0xFFFFD700  }
0xd8: {  	s29 =	simm.s32 $0x0;
	[bflag:$0x0] =	sbarrier.arrive $0xFFFF  }
0xd9: {  	[hbm:s13], [sflag:s28] =	dma.local [spmem:s26], $0x2000  }
0xda: {  	v8 =	vld [tilespmem:s29+$0x0]  }
0xdb: {  	s30 =	simm.s32 $0x40;
	v9 =	vld [tilespmem:s29+$0x5200]  }
.LBB2_16:
0xdc: {  	p0 =	sne.s32 s30, $0xA3C0  }
.Ltmp7:
0xdd: {  	_ = 	snop;
	(pc) =	sbr.rel @p0 .LBB2_16-.Ltmp7, $4  }
0xde: {  	_ = 	snop  }
0xdf: {  	s0 =	sshra.s32 s30, $0x2;
	s30 =	sadd.s32 $0x40, s30;
	vm0 =	veq.s32 v8, v6  }
0xe0: {  	v8 =	vld [tilespmem:s0+$0x0];
	v10 =	vnsel vm0, $0x0, v9  }
0xe1: {  	v9 =	vld [tilespmem:s0+$0x5200];
	[tilespmem:s29+$0x7B00] =	vst v10;
	s29 =	smov.u32 s0  }
0xe2: {  	_ =	sdelay $0x2  }
0xe3: {  	vm0 =	veq.s32 v8, v6  }
0xe4: {  	v8 =	vnsel vm0, $0x0, v9  }
0xe5: {  	[tilespmem:s29+$0x7B00] =	vst v8  }
0xe6: {  	_ =	swait.ge [sflag:s24], $0x2000  }
0xe7: {  	[sflag:s24] =	ssyncset.done $0x0  }
0xe8: {  	[sflag:s24] =	ssyncadd.s32 $0xFFFFE000  }
0xe9: {  	[bflag:$0x0] =	sbarrier.arrive $0xFFFF  }
0xea: {  	[spmem:s2] =	stream.indirect.scatter [tilespmem:s22], [sflag:$0x2], $0x1, s20, s20, $0xb8;
	[tilespmem:$0x1CD00] =	vst v63  }
0xeb: {  	_ =	swait.ge [sflag:s19], $0x2900  }
0xec: {  	[sflag:s19] =	ssyncset.done $0x0  }
0xed: {  	[sflag:s19] =	ssyncadd.s32 $0xFFFFD700  }
0xee: {  	[bflag:$0x0] =	sbarrier.arrive $0xFFFF  }
0xef: {  	[spmem:s2] =	stream.indirect.scatter.add.f32 [tilespmem:s23], [sflag:$0x2], $0x1, s20, s20, $0xb8;
	[tilespmem:$0x1CD00] =	vst v63  }
0xf0: {  	_ =	swait.ge [sflag:s19], $0x2900  }
0xf1: {  	[sflag:s19] =	ssyncset.done $0x0  }
0xf2: {  	[sflag:s19] =	ssyncadd.s32 $0xFFFFD700  }
0xf3: {  	s29 =	simm.s32 $0x0;
	[bflag:$0x0] =	sbarrier.arrive $0xFFFF  }
0xf4: {  	[hbm:s14], [sflag:s28] =	dma.local [spmem:s26], $0x2000  }
0xf5: {  	v8 =	vld [tilespmem:s29+$0x0]  }
0xf6: {  	s30 =	simm.s32 $0x40;
	v9 =	vld [tilespmem:s29+$0x5200]  }
.LBB2_18:
0xf7: {  	p0 =	sne.s32 s30, $0xA3C0  }
.Ltmp8:
0xf8: {  	_ = 	snop;
	(pc) =	sbr.rel @p0 .LBB2_18-.Ltmp8, $4  }
0xf9: {  	_ = 	snop  }
0xfa: {  	s0 =	sshra.s32 s30, $0x2;
	s30 =	sadd.s32 $0x40, s30;
	vm0 =	veq.s32 v8, v7  }
0xfb: {  	v8 =	vld [tilespmem:s0+$0x0];
	v10 =	vnsel vm0, $0x0, v9  }
0xfc: {  	v9 =	vld [tilespmem:s0+$0x5200];
	[tilespmem:s29+$0x7B00] =	vst v10;
	s29 =	smov.u32 s0  }
0xfd: {  	_ =	sdelay $0x2  }
0xfe: {  	vm0 =	veq.s32 v8, v7  }
0xff: {  	v8 =	vnsel vm0, $0x0, v9  }
0x100: {  	[tilespmem:s29+$0x7B00] =	vst v8  }
0x101: {  	_ =	swait.ge [sflag:s24], $0x2000  }
0x102: {  	[sflag:s24] =	ssyncset.done $0x0  }
0x103: {  	[sflag:s24] =	ssyncadd.s32 $0xFFFFE000  }
0x104: {  	[bflag:$0x0] =	sbarrier.arrive $0xFFFF  }
0x105: {  	[spmem:s2] =	stream.indirect.scatter [tilespmem:s22], [sflag:$0x2], $0x1, s20, s20, $0xb8;
	[tilespmem:$0x1CD00] =	vst v63  }
0x106: {  	_ =	swait.ge [sflag:s19], $0x2900  }
0x107: {  	[sflag:s19] =	ssyncset.done $0x0  }
0x108: {  	[sflag:s19] =	ssyncadd.s32 $0xFFFFD700  }
0x109: {  	[bflag:$0x0] =	sbarrier.arrive $0xFFFF  }
0x10a: {  	[spmem:s2] =	stream.indirect.scatter.add.f32 [tilespmem:s23], [sflag:$0x2], $0x1, s20, s20, $0xb8;
	[tilespmem:$0x1CD00] =	vst v63  }
0x10b: {  	_ =	swait.ge [sflag:s19], $0x2900  }
0x10c: {  	s25 =	sadd.s32 $0x1, s25;
	[sflag:s19] =	ssyncset.done $0x0  }
0x10d: {  	p0 =	sne.s32 s25, s18;
	[sflag:s19] =	ssyncadd.s32 $0xFFFFD700  }
.Ltmp9:
0x10e: {  	[bflag:$0x0] =	sbarrier.arrive $0xFFFF;
	(pc) =	sbr.rel @p0 .LBB2_1-.Ltmp9, $4  }
0x10f: {  	[hbm:s17], [sflag:s28] =	dma.local [spmem:s26], $0x2000  }
0x110: {  	_ =	swait.ge [sflag:s24], $0x2000  }
0x111: {  	[sflag:s24] =	ssyncset.done $0x0  }
0x112: {  	[sflag:s24] =	ssyncadd.s32 $0xFFFFE000  }
0x113: {  	_ =	sfence.sel $0x180000  }
0x114: {  	[bflag:$0x0] =	sbarrier.arrive $0xFFFF  }
0x115: {  	_ =	strace $0x90000047  }
0x116: {  	[bflag:$0x2] =	sbarrier.arrive $0xFFFF  }
0x117: {  	p0 =	sne.s32 s1, $0x0;
	s0 =	rddreg [dreg:$0x3]  }
0x118: {  	s0 =	sadd.s32 @!p0 $0x100000, s0  }
0x119: {  	[sflag:s0] =	ssyncadd.tile.s32 @!p0 $0x1;
	_ =	shalt  }
.Lfunc_end2:
_tile_overlayer_lowered:
.L_overlay_start_2:
0x11a: {  	(tag) =	ssettag $0x2  }
0x11b: {  	s0 =	rddreg [dreg:$0x0];
	s2 =	stileid.u32  }
0x11c: {  	s1 =	rddreg [dreg:$0x1];
	p0 =	sne.s32 s2, $0x0  }
0x11d: {  	s3 =	rddreg [dreg:$0x2];
	[bflag:$0x3] =	sbarrier.arrive $0xFFFF;
	s2 =	simm.s32 @!p0 $0x1C02  }
0x11e: {  	[timem:s3], [sflag:s2] =	dma.local @!p0 [hbm:s0], s1  }
0x11f: {  	s0 =	simm.s32 @!p0 $0x2  }
0x120: {  	_ =	swait.ge @!p0 [sflag:s0], s1  }
0x121: {  	s1 =	ssub.s32 @!p0 $0x0, s1;
	[sflag:s0] =	ssyncset.done @!p0 $0x0  }
0x122: {  	[sflag:s0] =	ssyncadd.s32 @!p0 s1  }
0x123: {  	[bflag:$0x3] =	sbarrier.arrive $0xFFFF  }
0x124: {  	_ =	shalt  }

</sc_bundles>
